<compile_context>
chip_gen: v7x
topology: tpu7x:2x2x1
jax: 0.10.2.dev20260603
libtpu: 0.0.44.dev20260713+nightly
codegen_flags: <defaults>
</compile_context>

<pallas_src>
import jax
import jax.numpy as jnp
from jax import lax
from jax.experimental import pallas as pl
from jax.experimental.pallas import tpu as pltpu
from jax.experimental.pallas import tpu_sc as plsc
import dataclasses
import functools

_sc_params = pltpu.CompilerParams()
if "needs_layout_passes" in pltpu.CompilerParams.__dataclass_fields__:
    _sc_params = dataclasses.replace(_sc_params, needs_layout_passes=False)

N = 524288
D = 128
H = 21
TASK = 3

NC = 2
NS = 16
NW = NC * NS
CHUNK = N // NW
KG = 128
BT = 2048
NBLK = N // BT
BPW = CHUNK // BT
BC = 8192

_mesh = plsc.VectorSubcoreMesh(core_axis_name="c", subcore_axis_name="s")


def _wid():
    return lax.axis_index("s") * NC + lax.axis_index("c")



@functools.partial(
    pl.kernel,
    out_type=[
        jax.ShapeDtypeStruct((N, D), jnp.float32),
        jax.ShapeDtypeStruct((NW, CHUNK), jnp.int32),
        jax.ShapeDtypeStruct((NW, 16), jnp.int32),
        jax.ShapeDtypeStruct((NW, 16), jnp.int32),
        jax.ShapeDtypeStruct((NC, 16), jnp.int32),
    ],
    mesh=_mesh,
    scratch_types=[
        pltpu.VMEM((CHUNK,), jnp.int32),
        pltpu.VMEM((CHUNK + KG,), jnp.int32),
        pltpu.VMEM((KG, D), jnp.float32),
        pltpu.VMEM((KG, D), jnp.float32),
        pltpu.VMEM((16,), jnp.int32),
        pltpu.VMEM((NS * 16,), jnp.int32),
        pltpu.VMEM_SHARED((NS * 16,), jnp.int32),
        pltpu.SemaphoreType.DMA,
        pltpu.SemaphoreType.DMA,
        pltpu.SemaphoreType.DMA,
        pltpu.SemaphoreType.DMA,
    ],
    compiler_params=_sc_params,
)
def _sc_compact_gather(x1_hbm, x0_hbm, xg_hbm, idx_hbm, cnt_hbm, off_hbm,
                       tot_hbm,
                       x1_v, idx_v, rows_a, rows_b, cnt_v, all_v, shared_v,
                       sem_ga, sem_gb, sem_wa, sem_wb):
    w = _wid()
    cidx = lax.axis_index("c")
    sid = lax.axis_index("s")
    base = w * CHUNK
    pltpu.sync_copy(x1_hbm.at[pl.ds(base, CHUNK)], x1_v)

    lanes = lax.iota(jnp.int32, 16)

    @pl.loop(0, CHUNK // 16, init_carry=jnp.int32(0), unroll=4)
    def cnt(i, c):
        v = x1_v[pl.ds(i * 16, 16)]
        m = v == TASK
        gi = (base + i * 16) + lanes
        plsc.store_compressed(idx_v.at[pl.ds(c, 16)], gi, mask=m)
        return c + jnp.sum(m.astype(jnp.int32))

    safe = jnp.full((16,), base, jnp.int32)
    for p in range(KG // 16):
        idx_v[pl.ds(cnt + p * 16, 16)] = safe

    cnt_v[...] = jnp.full((16,), cnt, jnp.int32)
    pltpu.sync_copy(cnt_v, cnt_hbm.at[w])
    pltpu.sync_copy(idx_v.at[pl.ds(0, CHUNK)], idx_hbm.at[w])

    nch = (cnt + (KG - 1)) // KG
    cntp = nch * KG

    cnt_v[...] = jnp.full((16,), cntp, jnp.int32)
    pltpu.sync_copy(cnt_v, shared_v.at[pl.ds(sid * 16, 16)])
    plsc.subcore_barrier()
    pltpu.sync_copy(shared_v, all_v)
    prefix = jnp.int32(0)
    tot = jnp.int32(0)
    for r in range(NS):
        cr = all_v[pl.ds(r * 16, 16)][0]
        prefix = prefix + jnp.where(r < sid, cr, 0)
        tot = tot + cr
    goff = pl.multiple_of(cidx * (N // NC) + prefix, KG)

    cnt_v[...] = jnp.full((16,), goff, jnp.int32)
    pltpu.sync_copy(cnt_v, off_hbm.at[w])

    @pl.when(sid == 0)
    def _():
        cnt_v[...] = jnp.full((16,), tot, jnp.int32)
        pltpu.sync_copy(cnt_v, tot_hbm.at[cidx])

    def _start_gather(j, buf, sem):
        pltpu.make_async_copy(
            x0_hbm.at[idx_v.at[pl.ds(j * KG, KG)]], buf, sem
        ).start()

    def _wait_gather(buf, sem):
        pltpu.make_async_copy(x0_hbm.at[pl.ds(0, KG)], buf, sem).wait()

    def _start_write(j, buf, sem):
        pltpu.make_async_copy(
            buf, xg_hbm.at[pl.ds(goff + j * KG, KG)], sem
        ).start()

    def _wait_write(buf, sem):
        pltpu.make_async_copy(buf, xg_hbm.at[pl.ds(0, KG)], sem).wait()

    @pl.when(nch > 0)
    def _():
        _start_gather(0, rows_a, sem_ga)

        @pl.loop(0, nch)
        def _(j):
            is_a = lax.rem(j, 2) == 0

            @pl.when(is_a)
            def _():
                _wait_gather(rows_a, sem_ga)

                @pl.when(j + 1 < nch)
                def _():
                    @pl.when(j >= 1)
                    def _():
                        _wait_write(rows_b, sem_wb)
                    _start_gather(j + 1, rows_b, sem_gb)
                _start_write(j, rows_a, sem_wa)

            @pl.when(jnp.logical_not(is_a))
            def _():
                _wait_gather(rows_b, sem_gb)

                @pl.when(j + 1 < nch)
                def _():
                    _wait_write(rows_a, sem_wa)
                    _start_gather(j + 1, rows_a, sem_ga)
                _start_write(j, rows_b, sem_wb)

        @pl.when(lax.rem(nch, 2) == 1)
        def _():
            _wait_write(rows_a, sem_wa)

            @pl.when(nch >= 2)
            def _():
                _wait_write(rows_b, sem_wb)

        @pl.when(lax.rem(nch, 2) == 0)
        def _():
            _wait_write(rows_b, sem_wb)
            _wait_write(rows_a, sem_wa)



def _copy_body(x_ref, o_ref):
    o_ref[...] = x_ref[...]


def _tc_copy(x0):
    return pl.pallas_call(
        _copy_body,
        grid=(N // BC,),
        in_specs=[pl.BlockSpec((BC, D), lambda i: (i, 0))],
        out_specs=pl.BlockSpec((BC, D), lambda i: (i, 0)),
        out_shape=jax.ShapeDtypeStruct((N, D), jnp.float32),
    )(x0)



def _mlp_body(tot_ref, xg_ref, wp_ref, xo_any, h_ref):
    c = pl.program_id(0)
    j = pl.program_id(1)

    @pl.when(j * BT < tot_ref[c, 0])
    def _():
        x = xg_ref[...]
        z = lax.dot_general(
            wp_ref[0:D, :], x, (((0,), (1,)), ((), ())),
            preferred_element_type=jnp.float32,
        )
        z = z + wp_ref[D:D + 1, :].reshape(H, 1)
        e = lax.erf(z * 0.7071067811865476)
        w2h = wp_ref[D + 1:D + 2, :].reshape(H, 1)
        b2 = wp_ref[D + 2, 0]
        h_ref[0] = jnp.sum((z + z * e) * w2h, axis=0, keepdims=True) + b2


BPC = N // NC // BT


def _xg_map(c, j, tot_ref):
    nb = (tot_ref[c, 0] + (BT - 1)) // BT
    jc = jnp.minimum(j, jnp.maximum(nb - 1, 0))
    return (c * BPC + jc, 0)


def _h_map(c, j, tot_ref):
    b, _ = _xg_map(c, j, tot_ref)
    return (b, 0, 0)


def _tc_mlp(tot, xg, wpack, x0_out, nbmax):
    return pl.pallas_call(
        _mlp_body,
        grid_spec=pltpu.PrefetchScalarGridSpec(
            num_scalar_prefetch=1,
            grid=(NC, nbmax),
            in_specs=[
                pl.BlockSpec((BT, D), _xg_map),
                pl.BlockSpec((D + 3, H), lambda c, j, t: (0, 0)),
                pl.BlockSpec(memory_space=pl.ANY),
            ],
            out_specs=pl.BlockSpec((1, 1, BT), _h_map),
        ),
        out_shape=jax.ShapeDtypeStruct((NBLK + BPW, 1, BT), jnp.float32),
    )(tot, xg, wpack, x0_out)



@functools.partial(
    pl.kernel,
    out_type=jax.ShapeDtypeStruct((N,), jnp.float32),
    mesh=_mesh,
    scratch_types=[
        pltpu.VMEM((CHUNK,), jnp.int32),
        pltpu.VMEM((CHUNK,), jnp.float32),
        pltpu.VMEM((CHUNK,), jnp.float32),
        pltpu.VMEM((16,), jnp.int32),
        pltpu.VMEM((16,), jnp.int32),
    ],
    compiler_params=_sc_params,
)
def _sc_scatter(idx_hbm, cnt_hbm, off_hbm, h_hbm, x2_hbm, out_hbm,
                idx_v, h_v, out_v, cnt_v, off_v):
    w = _wid()
    base = w * CHUNK
    pltpu.sync_copy(cnt_hbm.at[w], cnt_v)
    pltpu.sync_copy(off_hbm.at[w], off_v)
    pltpu.sync_copy(idx_hbm.at[w], idx_v)
    goff = pl.multiple_of(off_v[...][0], KG)
    pltpu.sync_copy(h_hbm.at[pl.ds(goff, CHUNK)], h_v)
    pltpu.sync_copy(x2_hbm.at[pl.ds(base, CHUNK)], out_v)
    cnt = cnt_v[...][0]
    lanes = lax.iota(jnp.int32, 16)

    @pl.loop(0, (cnt + 15) // 16)
    def _(k):
        off = k * 16
        iv = idx_v[pl.ds(off, 16)] - base
        hv = h_v[pl.ds(off, 16)]
        m = (off + lanes) < cnt
        plsc.store_scatter(out_v, [iv], hv, mask=m)

    pltpu.sync_copy(out_v, out_hbm.at[pl.ds(base, CHUNK)])



def kernel(x0, x1, x2, W1, b1, W2, b2):
    x1i = x1.astype(jnp.int32).reshape(N)
    wpack = jnp.concatenate(
        [W1, b1.reshape(1, H), 0.5 * W2.reshape(1, H),
         jnp.broadcast_to(b2.reshape(1, 1), (1, H))], axis=0)
    x0_out = _tc_copy(x0)
    xg, idxs, cnt16, off16, tot16 = _sc_compact_gather(x1i, x0)
    nbmax = jnp.maximum(jnp.max((tot16[:, 0] + (BT - 1)) // BT), 1)
    h = _tc_mlp(tot16, xg, wpack, x0_out, nbmax)
    x2_new = _sc_scatter(idxs, cnt16, off16, h.reshape(N + CHUNK),
                         x2.reshape(N))
    return (x0_out, x1, x2_new.reshape(N, 1))

# --- scband reference (transcript-rebuilt; emitter-appended) ---
"""Pipeline reference for scband-material-head-18674517803552 (READ-ONLY COPY).

The authoritative reference and input builder live on the scoring server;
editing this copy changes nothing except your own understanding.
"""

import jax, jax.numpy as jnp
import numpy as np

N = 524288
D = 128
H = 21
TASK = 3

def setup_inputs(seed: int = 0) -> dict:
    key = jax.random.key(seed)
    k0, k1, kw1, kb1, kw2, kb2 = jax.random.split(key, 6)
    x0 = jax.random.normal(k0, (N, D), dtype=jnp.float32)
    x1 = jax.random.randint(k1, (N,), 0, 8, dtype=jnp.int64)
    x2 = jnp.zeros((N, 1), dtype=jnp.float32)
    # nn.Linear default init: U(-1/sqrt(fan_in), 1/sqrt(fan_in))
    b = 1.0 / np.sqrt(D)
    W1 = jax.random.uniform(kw1, (D, H), minval=-b, maxval=b, dtype=jnp.float32)
    b1 = jax.random.uniform(kb1, (H,), minval=-b, maxval=b, dtype=jnp.float32)
    b2s = 1.0 / np.sqrt(H)
    W2 = jax.random.uniform(kw2, (H, 1), minval=-b2s, maxval=b2s, dtype=jnp.float32)
    b2 = jax.random.uniform(kb2, (1,), minval=-b2s, maxval=b2s, dtype=jnp.float32)
    return {"x0": x0, "x1": x1, "x2": x2, "W1": W1, "b1": b1, "W2": W2, "b2": b2}

def reference(x0, x1, x2, W1, b1, W2, b2):
    # head(x) = Linear(D,21) -> GELU(exact) -> Linear(21,1)
    h = jax.nn.gelu(x0 @ W1 + b1, approximate=False) @ W2 + b2
    # rows where x1 == TASK get overwritten (scatter-overwrite), others keep x2
    mask = (x1 == TASK)[:, None]
    x2_new = jnp.where(mask, h, x2)
    return (x0, x1, x2_new)

if __name__ == "__main__":
    import jax
    _d = setup_inputs()
    print(jax.jit(kernel)(*tuple(_d.values())))

</pallas_src>

<mosaic_0001>
#map = affine_map<(d0, d1) -> (0)>
#map1 = affine_map<(d0, d1) -> (0, 0)>
module attributes {stable_mosaic.version = 14 : i64} {
  func.func @_sc_compact_gather(%arg0: i32, %arg1: i32, %arg2: memref<524288xi32, #tpu.memory_space<hbm>>, %arg3: memref<524288x128xf32, #tpu.memory_space<hbm>>, %arg4: memref<524288x128xf32, #tpu.memory_space<hbm>>, %arg5: memref<32x16384xi32, #tpu.memory_space<hbm>>, %arg6: memref<32x16xi32, #tpu.memory_space<hbm>>, %arg7: memref<32x16xi32, #tpu.memory_space<hbm>>, %arg8: memref<2x16xi32, #tpu.memory_space<hbm>>, %arg9: memref<16384xi32, #tpu.memory_space<vmem>>, %arg10: memref<16512xi32, #tpu.memory_space<vmem>>, %arg11: memref<128x128xf32, #tpu.memory_space<vmem>>, %arg12: memref<128x128xf32, #tpu.memory_space<vmem>>, %arg13: memref<16xi32, #tpu.memory_space<vmem>>, %arg14: memref<256xi32, #tpu.memory_space<vmem>>, %arg15: memref<256xi32, #tpu.memory_space<vmem_shared>>, %arg16: memref<!tpu.dma_semaphore, #tpu.memory_space<semaphore_mem>>, %arg17: memref<!tpu.dma_semaphore, #tpu.memory_space<semaphore_mem>>, %arg18: memref<!tpu.dma_semaphore, #tpu.memory_space<semaphore_mem>>, %arg19: memref<!tpu.dma_semaphore, #tpu.memory_space<semaphore_mem>>) attributes {dimension_semantics = [#tpu.dimension_semantics<core_parallel>, #tpu.dimension_semantics<subcore_parallel>], iteration_bounds = array<i64: 2, 16>, scalar_prefetch = 0 : i64, scratch_operands = 11 : i64, tpu.core_type = #tpu.core_type<sc_vector_subcore>, window_params = [{transform_indices = #map}, {transform_indices = #map1}, {transform_indices = #map1}, {transform_indices = #map1}, {transform_indices = #map1}, {transform_indices = #map1}, {transform_indices = #map1}]} {
    %mul3A = arith.constant 2 : i32
    %mul3A_0 = arith.muli %arg1, %mul3A : i32
    %add3A = arith.addi %mul3A_0, %arg0 : i32
    %mul3A_1 = arith.constant 16384 : i32
    %mul3A_2 = arith.muli %add3A, %mul3A_1 : i32
    "tpu.region"() ({
      %run_scoped3A = tpu.sem_alloc : memref<!tpu.dma_semaphore, #tpu.memory_space<semaphore_mem>>
      %dma_start3A = tpu.memref_slice %arg2[%mul3A_2] : memref<524288xi32, #tpu.memory_space<hbm>> -> memref<16384xi32, #tpu.memory_space<hbm>>
      %dma_start3A_239 = tpu.memref_slice %arg2[%mul3A_2] : memref<524288xi32, #tpu.memory_space<hbm>> -> memref<16384xi32, #tpu.memory_space<hbm>>
      tpu.enqueue_dma source(%dma_start3A_239 : memref<16384xi32, #tpu.memory_space<hbm>>) target(%arg9 : memref<16384xi32, #tpu.memory_space<vmem>>) target_semaphore(%run_scoped3A : memref<!tpu.dma_semaphore, #tpu.memory_space<semaphore_mem>>)
      %dma_wait3A = tpu.memref_slice %arg2[%mul3A_2] : memref<524288xi32, #tpu.memory_space<hbm>> -> memref<16384xi32, #tpu.memory_space<hbm>>
      %dma_wait3A_240 = tpu.memref_slice %arg2[%mul3A_2] : memref<524288xi32, #tpu.memory_space<hbm>> -> memref<16384xi32, #tpu.memory_space<hbm>>
      tpu.wait_dma2 semaphore(%run_scoped3A : memref<!tpu.dma_semaphore, #tpu.memory_space<semaphore_mem>>) src(%dma_wait3A_240 : memref<16384xi32, #tpu.memory_space<hbm>>) dst(%arg9 : memref<16384xi32, #tpu.memory_space<vmem>>)
      tpu.yield
    }) : () -> ()
    %iota3A = tpu.iota {dimensions = array<i32: 0>} : vector<16xi32>
    %scan3A = arith.constant 0 : i32
    %scan3A_3 = arith.constant 0 : i32
    %scan3A_4 = arith.constant 1024 : i32
    %scan3A_5 = arith.addi %scan3A_3, %scan3A_4 : i32
    %scan3A_6 = arith.constant 4 : i32
    %scan3A_7 = scf.for %scan3A_239 = %scan3A_3 to %scan3A_5 step %scan3A_6 iter_args(%scan3A_240 = %scan3A) -> (i32)  : i32 {
      %mul3A_241 = arith.constant 1 : i32
      %mul3A_242 = arith.muli %scan3A_239, %mul3A_241 : i32
      %add3A_243 = arith.constant 0 : i32
      %add3A_244 = arith.addi %add3A_243, %mul3A_242 : i32
      %mul3A_245 = arith.constant 16 : i32
      %mul3A_246 = arith.muli %add3A_244, %mul3A_245 : i32
      %get3A_247 = arith.index_cast %mul3A_246 : i32 to index
      %get3A_248 = tpu.vector_load %arg9[%get3A_247] {strides = array<i32>} : memref<16384xi32, #tpu.memory_space<vmem>>, vector<16xi32>,
      %eq3A_249 = arith.constant 3 : i32
      %eq3A_250 = vector.broadcast %eq3A_249 : i32 to vector<16xi32>
      %eq3A_251 = arith.cmpi eq, %get3A_248, %eq3A_250 : vector<16xi32>
      %mul3A_252 = arith.constant 16 : i32
      %mul3A_253 = arith.muli %add3A_244, %mul3A_252 : i32
      %add3A_254 = arith.addi %mul3A_2, %mul3A_253 : i32
      %add3A_255 = vector.broadcast %add3A_254 : i32 to vector<16xi32>
      %add3A_256 = arith.addi %add3A_255, %iota3A : vector<16xi32>
      %swap3A_257 = arith.index_cast %scan3A_240 : i32 to index
      %swap3A_258 = tpu.vector_load %arg10[%swap3A_257] masked %eq3A_251 {strides = array<i32>} : memref<16512xi32, #tpu.memory_space<vmem>>, vector<16xi32>, vector<16xi1>
      tpu.vector_store %arg10[%swap3A_257], %add3A_256 masked %eq3A_251 {strides = array<i32>} : memref<16512xi32, #tpu.memory_space<vmem>>, vector<16xi32>, vector<16xi1>
      %convert_element_type3A_259 = arith.extui %eq3A_251 : vector<16xi1> to vector<16xi32>
      %reduce_sum3A = arith.constant true
      %reduce_sum3A_260 = vector.broadcast %reduce_sum3A : i1 to vector<16xi1>
      %reduce_sum3A_261 = tpu.scan <sum>, %convert_element_type3A_259 masked %reduce_sum3A_260 : vector<16xi32>, vector<16xi1> -> vector<16xi32>
      %reduce_sum3A_262 = vector.extract %reduce_sum3A_261[15] : i32 from vector<16xi32>
      %add3A_263 = arith.addi %scan3A_240, %reduce_sum3A_262 : i32
      %scan3A_264 = arith.constant 1 : i32
      %scan3A_265 = arith.addi %scan3A_239, %scan3A_264 : i32
      %mul3A_266 = arith.constant 1 : i32
      %mul3A_267 = arith.muli %scan3A_265, %mul3A_266 : i32
      %add3A_268 = arith.constant 0 : i32
      %add3A_269 = arith.addi %add3A_268, %mul3A_267 : i32
      %mul3A_270 = arith.constant 16 : i32
      %mul3A_271 = arith.muli %add3A_269, %mul3A_270 : i32
      %get3A_272 = arith.index_cast %mul3A_271 : i32 to index
      %get3A_273 = tpu.vector_load %arg9[%get3A_272] {strides = array<i32>} : memref<16384xi32, #tpu.memory_space<vmem>>, vector<16xi32>,
      %eq3A_274 = arith.constant 3 : i32
      %eq3A_275 = vector.broadcast %eq3A_274 : i32 to vector<16xi32>
      %eq3A_276 = arith.cmpi eq, %get3A_273, %eq3A_275 : vector<16xi32>
      %mul3A_277 = arith.constant 16 : i32
      %mul3A_278 = arith.muli %add3A_269, %mul3A_277 : i32
      %add3A_279 = arith.addi %mul3A_2, %mul3A_278 : i32
      %add3A_280 = vector.broadcast %add3A_279 : i32 to vector<16xi32>
      %add3A_281 = arith.addi %add3A_280, %iota3A : vector<16xi32>
      %swap3A_282 = arith.index_cast %add3A_263 : i32 to index
      %swap3A_283 = tpu.vector_load %arg10[%swap3A_282] masked %eq3A_276 {strides = array<i32>} : memref<16512xi32, #tpu.memory_space<vmem>>, vector<16xi32>, vector<16xi1>
      tpu.vector_store %arg10[%swap3A_282], %add3A_281 masked %eq3A_276 {strides = array<i32>} : memref<16512xi32, #tpu.memory_space<vmem>>, vector<16xi32>, vector<16xi1>
      %convert_element_type3A_284 = arith.extui %eq3A_276 : vector<16xi1> to vector<16xi32>
      %reduce_sum3A_285 = arith.constant true
      %reduce_sum3A_286 = vector.broadcast %reduce_sum3A_285 : i1 to vector<16xi1>
      %reduce_sum3A_287 = tpu.scan <sum>, %convert_element_type3A_284 masked %reduce_sum3A_286 : vector<16xi32>, vector<16xi1> -> vector<16xi32>
      %reduce_sum3A_288 = vector.extract %reduce_sum3A_287[15] : i32 from vector<16xi32>
      %add3A_289 = arith.addi %add3A_263, %reduce_sum3A_288 : i32
      %scan3A_290 = arith.constant 2 : i32
      %scan3A_291 = arith.addi %scan3A_239, %scan3A_290 : i32
      %mul3A_292 = arith.constant 1 : i32
      %mul3A_293 = arith.muli %scan3A_291, %mul3A_292 : i32
      %add3A_294 = arith.constant 0 : i32
      %add3A_295 = arith.addi %add3A_294, %mul3A_293 : i32
      %mul3A_296 = arith.constant 16 : i32
      %mul3A_297 = arith.muli %add3A_295, %mul3A_296 : i32
      %get3A_298 = arith.index_cast %mul3A_297 : i32 to index
      %get3A_299 = tpu.vector_load %arg9[%get3A_298] {strides = array<i32>} : memref<16384xi32, #tpu.memory_space<vmem>>, vector<16xi32>,
      %eq3A_300 = arith.constant 3 : i32
      %eq3A_301 = vector.broadcast %eq3A_300 : i32 to vector<16xi32>
      %eq3A_302 = arith.cmpi eq, %get3A_299, %eq3A_301 : vector<16xi32>
      %mul3A_303 = arith.constant 16 : i32
      %mul3A_304 = arith.muli %add3A_295, %mul3A_303 : i32
      %add3A_305 = arith.addi %mul3A_2, %mul3A_304 : i32
      %add3A_306 = vector.broadcast %add3A_305 : i32 to vector<16xi32>
      %add3A_307 = arith.addi %add3A_306, %iota3A : vector<16xi32>
      %swap3A_308 = arith.index_cast %add3A_289 : i32 to index
      %swap3A_309 = tpu.vector_load %arg10[%swap3A_308] masked %eq3A_302 {strides = array<i32>} : memref<16512xi32, #tpu.memory_space<vmem>>, vector<16xi32>, vector<16xi1>
      tpu.vector_store %arg10[%swap3A_308], %add3A_307 masked %eq3A_302 {strides = array<i32>} : memref<16512xi32, #tpu.memory_space<vmem>>, vector<16xi32>, vector<16xi1>
      %convert_element_type3A_310 = arith.extui %eq3A_302 : vector<16xi1> to vector<16xi32>
      %reduce_sum3A_311 = arith.constant true
      %reduce_sum3A_312 = vector.broadcast %reduce_sum3A_311 : i1 to vector<16xi1>
      %reduce_sum3A_313 = tpu.scan <sum>, %convert_element_type3A_310 masked %reduce_sum3A_312 : vector<16xi32>, vector<16xi1> -> vector<16xi32>
      %reduce_sum3A_314 = vector.extract %reduce_sum3A_313[15] : i32 from vector<16xi32>
      %add3A_315 = arith.addi %add3A_289, %reduce_sum3A_314 : i32
      %scan3A_316 = arith.constant 3 : i32
      %scan3A_317 = arith.addi %scan3A_239, %scan3A_316 : i32
      %mul3A_318 = arith.constant 1 : i32
      %mul3A_319 = arith.muli %scan3A_317, %mul3A_318 : i32
      %add3A_320 = arith.constant 0 : i32
      %add3A_321 = arith.addi %add3A_320, %mul3A_319 : i32
      %mul3A_322 = arith.constant 16 : i32
      %mul3A_323 = arith.muli %add3A_321, %mul3A_322 : i32
      %get3A_324 = arith.index_cast %mul3A_323 : i32 to index
      %get3A_325 = tpu.vector_load %arg9[%get3A_324] {strides = array<i32>} : memref<16384xi32, #tpu.memory_space<vmem>>, vector<16xi32>,
      %eq3A_326 = arith.constant 3 : i32
      %eq3A_327 = vector.broadcast %eq3A_326 : i32 to vector<16xi32>
      %eq3A_328 = arith.cmpi eq, %get3A_325, %eq3A_327 : vector<16xi32>
      %mul3A_329 = arith.constant 16 : i32
      %mul3A_330 = arith.muli %add3A_321, %mul3A_329 : i32
      %add3A_331 = arith.addi %mul3A_2, %mul3A_330 : i32
      %add3A_332 = vector.broadcast %add3A_331 : i32 to vector<16xi32>
      %add3A_333 = arith.addi %add3A_332, %iota3A : vector<16xi32>
      %swap3A_334 = arith.index_cast %add3A_315 : i32 to index
      %swap3A_335 = tpu.vector_load %arg10[%swap3A_334] masked %eq3A_328 {strides = array<i32>} : memref<16512xi32, #tpu.memory_space<vmem>>, vector<16xi32>, vector<16xi1>
      tpu.vector_store %arg10[%swap3A_334], %add3A_333 masked %eq3A_328 {strides = array<i32>} : memref<16512xi32, #tpu.memory_space<vmem>>, vector<16xi32>, vector<16xi1>
      %convert_element_type3A_336 = arith.extui %eq3A_328 : vector<16xi1> to vector<16xi32>
      %reduce_sum3A_337 = arith.constant true
      %reduce_sum3A_338 = vector.broadcast %reduce_sum3A_337 : i1 to vector<16xi1>
      %reduce_sum3A_339 = tpu.scan <sum>, %convert_element_type3A_336 masked %reduce_sum3A_338 : vector<16xi32>, vector<16xi1> -> vector<16xi32>
      %reduce_sum3A_340 = vector.extract %reduce_sum3A_339[15] : i32 from vector<16xi32>
      %add3A_341 = arith.addi %add3A_315, %reduce_sum3A_340 : i32
      scf.yield %add3A_341 : i32
    }
    %scan3A_8 = arith.constant 1024 : i32
    %broadcast_in_dim3A = vector.broadcast %mul3A_2 : i32 to vector<16xi32>
    %add3A_9 = arith.constant 0 : i32
    %add3A_10 = arith.addi %scan3A_7, %add3A_9 : i32
    %swap3A = arith.index_cast %add3A_10 : i32 to index
    %swap3A_11 = tpu.vector_load %arg10[%swap3A] {strides = array<i32>} : memref<16512xi32, #tpu.memory_space<vmem>>, vector<16xi32>,
    tpu.vector_store %arg10[%swap3A], %broadcast_in_dim3A {strides = array<i32>} : memref<16512xi32, #tpu.memory_space<vmem>>, vector<16xi32>,
    %add3A_12 = arith.constant 16 : i32
    %add3A_13 = arith.addi %scan3A_7, %add3A_12 : i32
    %swap3A_14 = arith.index_cast %add3A_13 : i32 to index
    %swap3A_15 = tpu.vector_load %arg10[%swap3A_14] {strides = array<i32>} : memref<16512xi32, #tpu.memory_space<vmem>>, vector<16xi32>,
    tpu.vector_store %arg10[%swap3A_14], %broadcast_in_dim3A {strides = array<i32>} : memref<16512xi32, #tpu.memory_space<vmem>>, vector<16xi32>,
    %add3A_16 = arith.constant 32 : i32
    %add3A_17 = arith.addi %scan3A_7, %add3A_16 : i32
    %swap3A_18 = arith.index_cast %add3A_17 : i32 to index
    %swap3A_19 = tpu.vector_load %arg10[%swap3A_18] {strides = array<i32>} : memref<16512xi32, #tpu.memory_space<vmem>>, vector<16xi32>,
    tpu.vector_store %arg10[%swap3A_18], %broadcast_in_dim3A {strides = array<i32>} : memref<16512xi32, #tpu.memory_space<vmem>>, vector<16xi32>,
    %add3A_20 = arith.constant 48 : i32
    %add3A_21 = arith.addi %scan3A_7, %add3A_20 : i32
    %swap3A_22 = arith.index_cast %add3A_21 : i32 to index
    %swap3A_23 = tpu.vector_load %arg10[%swap3A_22] {strides = array<i32>} : memref<16512xi32, #tpu.memory_space<vmem>>, vector<16xi32>,
    tpu.vector_store %arg10[%swap3A_22], %broadcast_in_dim3A {strides = array<i32>} : memref<16512xi32, #tpu.memory_space<vmem>>, vector<16xi32>,
    %add3A_24 = arith.constant 64 : i32
    %add3A_25 = arith.addi %scan3A_7, %add3A_24 : i32
    %swap3A_26 = arith.index_cast %add3A_25 : i32 to index
    %swap3A_27 = tpu.vector_load %arg10[%swap3A_26] {strides = array<i32>} : memref<16512xi32, #tpu.memory_space<vmem>>, vector<16xi32>,
    tpu.vector_store %arg10[%swap3A_26], %broadcast_in_dim3A {strides = array<i32>} : memref<16512xi32, #tpu.memory_space<vmem>>, vector<16xi32>,
    %add3A_28 = arith.constant 80 : i32
    %add3A_29 = arith.addi %scan3A_7, %add3A_28 : i32
    %swap3A_30 = arith.index_cast %add3A_29 : i32 to index
    %swap3A_31 = tpu.vector_load %arg10[%swap3A_30] {strides = array<i32>} : memref<16512xi32, #tpu.memory_space<vmem>>, vector<16xi32>,
    tpu.vector_store %arg10[%swap3A_30], %broadcast_in_dim3A {strides = array<i32>} : memref<16512xi32, #tpu.memory_space<vmem>>, vector<16xi32>,
    %add3A_32 = arith.constant 96 : i32
    %add3A_33 = arith.addi %scan3A_7, %add3A_32 : i32
    %swap3A_34 = arith.index_cast %add3A_33 : i32 to index
    %swap3A_35 = tpu.vector_load %arg10[%swap3A_34] {strides = array<i32>} : memref<16512xi32, #tpu.memory_space<vmem>>, vector<16xi32>,
    tpu.vector_store %arg10[%swap3A_34], %broadcast_in_dim3A {strides = array<i32>} : memref<16512xi32, #tpu.memory_space<vmem>>, vector<16xi32>,
    %add3A_36 = arith.constant 112 : i32
    %add3A_37 = arith.addi %scan3A_7, %add3A_36 : i32
    %swap3A_38 = arith.index_cast %add3A_37 : i32 to index
    %swap3A_39 = tpu.vector_load %arg10[%swap3A_38] {strides = array<i32>} : memref<16512xi32, #tpu.memory_space<vmem>>, vector<16xi32>,
    tpu.vector_store %arg10[%swap3A_38], %broadcast_in_dim3A {strides = array<i32>} : memref<16512xi32, #tpu.memory_space<vmem>>, vector<16xi32>,
    %broadcast_in_dim3A_40 = vector.broadcast %scan3A_7 : i32 to vector<16xi32>
    %swap3A_41 = arith.constant 0 : index
    %swap3A_42 = tpu.vector_load %arg13[%swap3A_41] {strides = array<i32>} : memref<16xi32, #tpu.memory_space<vmem>>, vector<16xi32>,
    tpu.vector_store %arg13[%swap3A_41], %broadcast_in_dim3A_40 {strides = array<i32>} : memref<16xi32, #tpu.memory_space<vmem>>, vector<16xi32>,
    "tpu.region"() ({
      %run_scoped3A = tpu.sem_alloc : memref<!tpu.dma_semaphore, #tpu.memory_space<semaphore_mem>>
      %dma_start3A = arith.constant 0 : i32
      %dma_start3A_239 = tpu.memref_slice %arg6[%add3A, %dma_start3A] : memref<32x16xi32, #tpu.memory_space<hbm>> -> memref<1x16xi32, #tpu.memory_space<hbm>>
      %dma_start3A_240 = tpu.memref_squeeze %dma_start3A_239 : memref<1x16xi32, #tpu.memory_space<hbm>> -> memref<16xi32, #tpu.memory_space<hbm>>
      %dma_start3A_241 = arith.constant 0 : i32
      %dma_start3A_242 = tpu.memref_slice %arg6[%add3A, %dma_start3A_241] : memref<32x16xi32, #tpu.memory_space<hbm>> -> memref<1x16xi32, #tpu.memory_space<hbm>>
      %dma_start3A_243 = tpu.memref_squeeze %dma_start3A_242 : memref<1x16xi32, #tpu.memory_space<hbm>> -> memref<16xi32, #tpu.memory_space<hbm>>
      tpu.enqueue_dma source(%arg13 : memref<16xi32, #tpu.memory_space<vmem>>) target(%dma_start3A_243 : memref<16xi32, #tpu.memory_space<hbm>>) target_semaphore(%run_scoped3A : memref<!tpu.dma_semaphore, #tpu.memory_space<semaphore_mem>>)
      %dma_wait3A = arith.constant 0 : i32
      %dma_wait3A_244 = tpu.memref_slice %arg6[%add3A, %dma_wait3A] : memref<32x16xi32, #tpu.memory_space<hbm>> -> memref<1x16xi32, #tpu.memory_space<hbm>>
      %dma_wait3A_245 = tpu.memref_squeeze %dma_wait3A_244 : memref<1x16xi32, #tpu.memory_space<hbm>> -> memref<16xi32, #tpu.memory_space<hbm>>
      %dma_wait3A_246 = arith.constant 0 : i32
      %dma_wait3A_247 = tpu.memref_slice %arg6[%add3A, %dma_wait3A_246] : memref<32x16xi32, #tpu.memory_space<hbm>> -> memref<1x16xi32, #tpu.memory_space<hbm>>
      %dma_wait3A_248 = tpu.memref_squeeze %dma_wait3A_247 : memref<1x16xi32, #tpu.memory_space<hbm>> -> memref<16xi32, #tpu.memory_space<hbm>>
      tpu.wait_dma2 semaphore(%run_scoped3A : memref<!tpu.dma_semaphore, #tpu.memory_space<semaphore_mem>>) src(%arg13 : memref<16xi32, #tpu.memory_space<vmem>>) dst(%dma_wait3A_248 : memref<16xi32, #tpu.memory_space<hbm>>)
      tpu.yield
    }) : () -> ()
    "tpu.region"() ({
      %run_scoped3A = tpu.sem_alloc : memref<!tpu.dma_semaphore, #tpu.memory_space<semaphore_mem>>
      %dma_start3A = arith.constant 0 : i32
      %dma_start3A_239 = tpu.memref_slice %arg10[%dma_start3A] : memref<16512xi32, #tpu.memory_space<vmem>> -> memref<16384xi32, #tpu.memory_space<vmem>>
      %dma_start3A_240 = arith.constant 0 : i32
      %dma_start3A_241 = tpu.memref_slice %arg5[%add3A, %dma_start3A_240] : memref<32x16384xi32, #tpu.memory_space<hbm>> -> memref<1x16384xi32, #tpu.memory_space<hbm>>
      %dma_start3A_242 = tpu.memref_squeeze %dma_start3A_241 : memref<1x16384xi32, #tpu.memory_space<hbm>> -> memref<16384xi32, #tpu.memory_space<hbm>>
      %dma_start3A_243 = arith.constant 0 : i32
      %dma_start3A_244 = tpu.memref_slice %arg5[%add3A, %dma_start3A_243] : memref<32x16384xi32, #tpu.memory_space<hbm>> -> memref<1x16384xi32, #tpu.memory_space<hbm>>
      %dma_start3A_245 = tpu.memref_squeeze %dma_start3A_244 : memref<1x16384xi32, #tpu.memory_space<hbm>> -> memref<16384xi32, #tpu.memory_space<hbm>>
      %dma_start3A_246 = arith.constant 0 : i32
      %dma_start3A_247 = tpu.memref_slice %arg10[%dma_start3A_246] : memref<16512xi32, #tpu.memory_space<vmem>> -> memref<16384xi32, #tpu.memory_space<vmem>>
      tpu.enqueue_dma source(%dma_start3A_247 : memref<16384xi32, #tpu.memory_space<vmem>>) target(%dma_start3A_245 : memref<16384xi32, #tpu.memory_space<hbm>>) target_semaphore(%run_scoped3A : memref<!tpu.dma_semaphore, #tpu.memory_space<semaphore_mem>>)
      %dma_wait3A = arith.constant 0 : i32
      %dma_wait3A_248 = tpu.memref_slice %arg10[%dma_wait3A] : memref<16512xi32, #tpu.memory_space<vmem>> -> memref<16384xi32, #tpu.memory_space<vmem>>
      %dma_wait3A_249 = arith.constant 0 : i32
      %dma_wait3A_250 = tpu.memref_slice %arg5[%add3A, %dma_wait3A_249] : memref<32x16384xi32, #tpu.memory_space<hbm>> -> memref<1x16384xi32, #tpu.memory_space<hbm>>
      %dma_wait3A_251 = tpu.memref_squeeze %dma_wait3A_250 : memref<1x16384xi32, #tpu.memory_space<hbm>> -> memref<16384xi32, #tpu.memory_space<hbm>>
      %dma_wait3A_252 = arith.constant 0 : i32
      %dma_wait3A_253 = tpu.memref_slice %arg5[%add3A, %dma_wait3A_252] : memref<32x16384xi32, #tpu.memory_space<hbm>> -> memref<1x16384xi32, #tpu.memory_space<hbm>>
      %dma_wait3A_254 = tpu.memref_squeeze %dma_wait3A_253 : memref<1x16384xi32, #tpu.memory_space<hbm>> -> memref<16384xi32, #tpu.memory_space<hbm>>
      %dma_wait3A_255 = arith.constant 0 : i32
      %dma_wait3A_256 = tpu.memref_slice %arg10[%dma_wait3A_255] : memref<16512xi32, #tpu.memory_space<vmem>> -> memref<16384xi32, #tpu.memory_space<vmem>>
      tpu.wait_dma2 semaphore(%run_scoped3A : memref<!tpu.dma_semaphore, #tpu.memory_space<semaphore_mem>>) src(%dma_wait3A_256 : memref<16384xi32, #tpu.memory_space<vmem>>) dst(%dma_wait3A_254 : memref<16384xi32, #tpu.memory_space<hbm>>)
      tpu.yield
    }) : () -> ()
    %add3A_43 = arith.constant 127 : i32
    %add3A_44 = arith.addi %scan3A_7, %add3A_43 : i32
    %jit3A = arith.constant 128 : i32
    %div3A = arith.divsi %add3A_44, %jit3A : i32
    %sign3A = arith.constant 0 : i32
    %sign3A_45 = arith.cmpi sgt, %add3A_44, %sign3A : i32
    %sign3A_46 = arith.extui %sign3A_45 : i1 to i32
    %sign3A_47 = arith.constant 0 : i32
    %sign3A_48 = arith.cmpi slt, %add3A_44, %sign3A_47 : i32
    %sign3A_49 = arith.extui %sign3A_48 : i1 to i32
    %sign3A_50 = arith.subi %sign3A_46, %sign3A_49 : i32
    %sign3A_51 = arith.constant 0 : i32
    %sign3A_52 = arith.cmpi sgt, %jit3A, %sign3A_51 : i32
    %sign3A_53 = arith.extui %sign3A_52 : i1 to i32
    %sign3A_54 = arith.constant 0 : i32
    %sign3A_55 = arith.cmpi slt, %jit3A, %sign3A_54 : i32
    %sign3A_56 = arith.extui %sign3A_55 : i1 to i32
    %sign3A_57 = arith.subi %sign3A_53, %sign3A_56 : i32
    %ne3A = arith.cmpi ne, %sign3A_50, %sign3A_57 : i32
    %rem3A = arith.remsi %add3A_44, %jit3A : i32
    %ne3A_58 = arith.constant 0 : i32
    %ne3A_59 = arith.cmpi ne, %rem3A, %ne3A_58 : i32
    %and3A = arith.andi %ne3A, %ne3A_59 : i1
    %sub3A = arith.constant 1 : i32
    %sub3A_60 = arith.subi %div3A, %sub3A : i32
    %select_n3A = arith.select %and3A, %sub3A_60, %div3A : i32
    %mul3A_61 = arith.constant 128 : i32
    %mul3A_62 = arith.muli %select_n3A, %mul3A_61 : i32
    %broadcast_in_dim3A_63 = vector.broadcast %mul3A_62 : i32 to vector<16xi32>
    %swap3A_64 = arith.constant 0 : index
    %swap3A_65 = tpu.vector_load %arg13[%swap3A_64] {strides = array<i32>} : memref<16xi32, #tpu.memory_space<vmem>>, vector<16xi32>,
    tpu.vector_store %arg13[%swap3A_64], %broadcast_in_dim3A_63 {strides = array<i32>} : memref<16xi32, #tpu.memory_space<vmem>>, vector<16xi32>,
    %mul3A_66 = arith.constant 16 : i32
    %mul3A_67 = arith.muli %arg1, %mul3A_66 : i32
    "tpu.region"() ({
      %run_scoped3A = tpu.sem_alloc : memref<!tpu.dma_semaphore, #tpu.memory_space<semaphore_mem>>
      %dma_start3A = tpu.memref_slice %arg15[%mul3A_67] : memref<256xi32, #tpu.memory_space<vmem_shared>> -> memref<16xi32, #tpu.memory_space<vmem_shared>>
      %dma_start3A_239 = tpu.memref_slice %arg15[%mul3A_67] : memref<256xi32, #tpu.memory_space<vmem_shared>> -> memref<16xi32, #tpu.memory_space<vmem_shared>>
      tpu.enqueue_dma source(%arg13 : memref<16xi32, #tpu.memory_space<vmem>>) target(%dma_start3A_239 : memref<16xi32, #tpu.memory_space<vmem_shared>>) target_semaphore(%run_scoped3A : memref<!tpu.dma_semaphore, #tpu.memory_space<semaphore_mem>>)
      %dma_wait3A = tpu.memref_slice %arg15[%mul3A_67] : memref<256xi32, #tpu.memory_space<vmem_shared>> -> memref<16xi32, #tpu.memory_space<vmem_shared>>
      %dma_wait3A_240 = tpu.memref_slice %arg15[%mul3A_67] : memref<256xi32, #tpu.memory_space<vmem_shared>> -> memref<16xi32, #tpu.memory_space<vmem_shared>>
      tpu.wait_dma2 semaphore(%run_scoped3A : memref<!tpu.dma_semaphore, #tpu.memory_space<semaphore_mem>>) src(%arg13 : memref<16xi32, #tpu.memory_space<vmem>>) dst(%dma_wait3A_240 : memref<16xi32, #tpu.memory_space<vmem_shared>>)
      tpu.yield
    }) : () -> ()
    %barrier3A = arith.constant 0 : index
    tpu.barrier barrier_id(%barrier3A)
    "tpu.region"() ({
      %run_scoped3A = tpu.sem_alloc : memref<!tpu.dma_semaphore, #tpu.memory_space<semaphore_mem>>
      tpu.enqueue_dma source(%arg15 : memref<256xi32, #tpu.memory_space<vmem_shared>>) target(%arg14 : memref<256xi32, #tpu.memory_space<vmem>>) target_semaphore(%run_scoped3A : memref<!tpu.dma_semaphore, #tpu.memory_space<semaphore_mem>>)
      tpu.wait_dma2 semaphore(%run_scoped3A : memref<!tpu.dma_semaphore, #tpu.memory_space<semaphore_mem>>) src(%arg15 : memref<256xi32, #tpu.memory_space<vmem_shared>>) dst(%arg14 : memref<256xi32, #tpu.memory_space<vmem>>)
      tpu.yield
    }) : () -> ()
    %get3A = arith.constant 0 : index
    %get3A_68 = tpu.vector_load %arg14[%get3A] {strides = array<i32>} : memref<256xi32, #tpu.memory_space<vmem>>, vector<16xi32>,
    %slice3A = vector.extract_strided_slice %get3A_68 {offsets = [0], sizes = [1], strides = [1]} : vector<16xi32> to vector<1xi32>
    %squeeze3A = vector.extract %slice3A[0] : i32 from vector<1xi32>
    %gt3A = arith.constant 0 : i32
    %gt3A_69 = arith.cmpi sgt, %arg1, %gt3A : i32
    %jit3A_70 = arith.constant 0 : i32
    %select_n3A_71 = arith.select %gt3A_69, %squeeze3A, %jit3A_70 : i32
    %add3A_72 = arith.constant 0 : i32
    %add3A_73 = arith.addi %add3A_72, %select_n3A_71 : i32
    %add3A_74 = arith.constant 0 : i32
    %add3A_75 = arith.addi %add3A_74, %squeeze3A : i32
    %get3A_76 = arith.constant 16 : index
    %get3A_77 = tpu.vector_load %arg14[%get3A_76] {strides = array<i32>} : memref<256xi32, #tpu.memory_space<vmem>>, vector<16xi32>,
    %slice3A_78 = vector.extract_strided_slice %get3A_77 {offsets = [0], sizes = [1], strides = [1]} : vector<16xi32> to vector<1xi32>
    %squeeze3A_79 = vector.extract %slice3A_78[0] : i32 from vector<1xi32>
    %gt3A_80 = arith.constant 1 : i32
    %gt3A_81 = arith.cmpi sgt, %arg1, %gt3A_80 : i32
    %jit3A_82 = arith.constant 0 : i32
    %select_n3A_83 = arith.select %gt3A_81, %squeeze3A_79, %jit3A_82 : i32
    %add3A_84 = arith.addi %add3A_73, %select_n3A_83 : i32
    %add3A_85 = arith.addi %add3A_75, %squeeze3A_79 : i32
    %get3A_86 = arith.constant 32 : index
    %get3A_87 = tpu.vector_load %arg14[%get3A_86] {strides = array<i32>} : memref<256xi32, #tpu.memory_space<vmem>>, vector<16xi32>,
    %slice3A_88 = vector.extract_strided_slice %get3A_87 {offsets = [0], sizes = [1], strides = [1]} : vector<16xi32> to vector<1xi32>
    %squeeze3A_89 = vector.extract %slice3A_88[0] : i32 from vector<1xi32>
    %gt3A_90 = arith.constant 2 : i32
    %gt3A_91 = arith.cmpi sgt, %arg1, %gt3A_90 : i32
    %jit3A_92 = arith.constant 0 : i32
    %select_n3A_93 = arith.select %gt3A_91, %squeeze3A_89, %jit3A_92 : i32
    %add3A_94 = arith.addi %add3A_84, %select_n3A_93 : i32
    %add3A_95 = arith.addi %add3A_85, %squeeze3A_89 : i32
    %get3A_96 = arith.constant 48 : index
    %get3A_97 = tpu.vector_load %arg14[%get3A_96] {strides = array<i32>} : memref<256xi32, #tpu.memory_space<vmem>>, vector<16xi32>,
    %slice3A_98 = vector.extract_strided_slice %get3A_97 {offsets = [0], sizes = [1], strides = [1]} : vector<16xi32> to vector<1xi32>
    %squeeze3A_99 = vector.extract %slice3A_98[0] : i32 from vector<1xi32>
    %gt3A_100 = arith.constant 3 : i32
    %gt3A_101 = arith.cmpi sgt, %arg1, %gt3A_100 : i32
    %jit3A_102 = arith.constant 0 : i32
    %select_n3A_103 = arith.select %gt3A_101, %squeeze3A_99, %jit3A_102 : i32
    %add3A_104 = arith.addi %add3A_94, %select_n3A_103 : i32
    %add3A_105 = arith.addi %add3A_95, %squeeze3A_99 : i32
    %get3A_106 = arith.constant 64 : index
    %get3A_107 = tpu.vector_load %arg14[%get3A_106] {strides = array<i32>} : memref<256xi32, #tpu.memory_space<vmem>>, vector<16xi32>,
    %slice3A_108 = vector.extract_strided_slice %get3A_107 {offsets = [0], sizes = [1], strides = [1]} : vector<16xi32> to vector<1xi32>
    %squeeze3A_109 = vector.extract %slice3A_108[0] : i32 from vector<1xi32>
    %gt3A_110 = arith.constant 4 : i32
    %gt3A_111 = arith.cmpi sgt, %arg1, %gt3A_110 : i32
    %jit3A_112 = arith.constant 0 : i32
    %select_n3A_113 = arith.select %gt3A_111, %squeeze3A_109, %jit3A_112 : i32
    %add3A_114 = arith.addi %add3A_104, %select_n3A_113 : i32
    %add3A_115 = arith.addi %add3A_105, %squeeze3A_109 : i32
    %get3A_116 = arith.constant 80 : index
    %get3A_117 = tpu.vector_load %arg14[%get3A_116] {strides = array<i32>} : memref<256xi32, #tpu.memory_space<vmem>>, vector<16xi32>,
    %slice3A_118 = vector.extract_strided_slice %get3A_117 {offsets = [0], sizes = [1], strides = [1]} : vector<16xi32> to vector<1xi32>
    %squeeze3A_119 = vector.extract %slice3A_118[0] : i32 from vector<1xi32>
    %gt3A_120 = arith.constant 5 : i32
    %gt3A_121 = arith.cmpi sgt, %arg1, %gt3A_120 : i32
    %jit3A_122 = arith.constant 0 : i32
    %select_n3A_123 = arith.select %gt3A_121, %squeeze3A_119, %jit3A_122 : i32
    %add3A_124 = arith.addi %add3A_114, %select_n3A_123 : i32
    %add3A_125 = arith.addi %add3A_115, %squeeze3A_119 : i32
    %get3A_126 = arith.constant 96 : index
    %get3A_127 = tpu.vector_load %arg14[%get3A_126] {strides = array<i32>} : memref<256xi32, #tpu.memory_space<vmem>>, vector<16xi32>,
    %slice3A_128 = vector.extract_strided_slice %get3A_127 {offsets = [0], sizes = [1], strides = [1]} : vector<16xi32> to vector<1xi32>
    %squeeze3A_129 = vector.extract %slice3A_128[0] : i32 from vector<1xi32>
    %gt3A_130 = arith.constant 6 : i32
    %gt3A_131 = arith.cmpi sgt, %arg1, %gt3A_130 : i32
    %jit3A_132 = arith.constant 0 : i32
    %select_n3A_133 = arith.select %gt3A_131, %squeeze3A_129, %jit3A_132 : i32
    %add3A_134 = arith.addi %add3A_124, %select_n3A_133 : i32
    %add3A_135 = arith.addi %add3A_125, %squeeze3A_129 : i32
    %get3A_136 = arith.constant 112 : index
    %get3A_137 = tpu.vector_load %arg14[%get3A_136] {strides = array<i32>} : memref<256xi32, #tpu.memory_space<vmem>>, vector<16xi32>,
    %slice3A_138 = vector.extract_strided_slice %get3A_137 {offsets = [0], sizes = [1], strides = [1]} : vector<16xi32> to vector<1xi32>
    %squeeze3A_139 = vector.extract %slice3A_138[0] : i32 from vector<1xi32>
    %gt3A_140 = arith.constant 7 : i32
    %gt3A_141 = arith.cmpi sgt, %arg1, %gt3A_140 : i32
    %jit3A_142 = arith.constant 0 : i32
    %select_n3A_143 = arith.select %gt3A_141, %squeeze3A_139, %jit3A_142 : i32
    %add3A_144 = arith.addi %add3A_134, %select_n3A_143 : i32
    %add3A_145 = arith.addi %add3A_135, %squeeze3A_139 : i32
    %get3A_146 = arith.constant 128 : index
    %get3A_147 = tpu.vector_load %arg14[%get3A_146] {strides = array<i32>} : memref<256xi32, #tpu.memory_space<vmem>>, vector<16xi32>,
    %slice3A_148 = vector.extract_strided_slice %get3A_147 {offsets = [0], sizes = [1], strides = [1]} : vector<16xi32> to vector<1xi32>
    %squeeze3A_149 = vector.extract %slice3A_148[0] : i32 from vector<1xi32>
    %gt3A_150 = arith.constant 8 : i32
    %gt3A_151 = arith.cmpi sgt, %arg1, %gt3A_150 : i32
    %jit3A_152 = arith.constant 0 : i32
    %select_n3A_153 = arith.select %gt3A_151, %squeeze3A_149, %jit3A_152 : i32
    %add3A_154 = arith.addi %add3A_144, %select_n3A_153 : i32
    %add3A_155 = arith.addi %add3A_145, %squeeze3A_149 : i32
    %get3A_156 = arith.constant 144 : index
    %get3A_157 = tpu.vector_load %arg14[%get3A_156] {strides = array<i32>} : memref<256xi32, #tpu.memory_space<vmem>>, vector<16xi32>,
    %slice3A_158 = vector.extract_strided_slice %get3A_157 {offsets = [0], sizes = [1], strides = [1]} : vector<16xi32> to vector<1xi32>
    %squeeze3A_159 = vector.extract %slice3A_158[0] : i32 from vector<1xi32>
    %gt3A_160 = arith.constant 9 : i32
    %gt3A_161 = arith.cmpi sgt, %arg1, %gt3A_160 : i32
    %jit3A_162 = arith.constant 0 : i32
    %select_n3A_163 = arith.select %gt3A_161, %squeeze3A_159, %jit3A_162 : i32
    %add3A_164 = arith.addi %add3A_154, %select_n3A_163 : i32
    %add3A_165 = arith.addi %add3A_155, %squeeze3A_159 : i32
    %get3A_166 = arith.constant 160 : index
    %get3A_167 = tpu.vector_load %arg14[%get3A_166] {strides = array<i32>} : memref<256xi32, #tpu.memory_space<vmem>>, vector<16xi32>,
    %slice3A_168 = vector.extract_strided_slice %get3A_167 {offsets = [0], sizes = [1], strides = [1]} : vector<16xi32> to vector<1xi32>
    %squeeze3A_169 = vector.extract %slice3A_168[0] : i32 from vector<1xi32>
    %gt3A_170 = arith.constant 10 : i32
    %gt3A_171 = arith.cmpi sgt, %arg1, %gt3A_170 : i32
    %jit3A_172 = arith.constant 0 : i32
    %select_n3A_173 = arith.select %gt3A_171, %squeeze3A_169, %jit3A_172 : i32
    %add3A_174 = arith.addi %add3A_164, %select_n3A_173 : i32
    %add3A_175 = arith.addi %add3A_165, %squeeze3A_169 : i32
    %get3A_176 = arith.constant 176 : index
    %get3A_177 = tpu.vector_load %arg14[%get3A_176] {strides = array<i32>} : memref<256xi32, #tpu.memory_space<vmem>>, vector<16xi32>,
    %slice3A_178 = vector.extract_strided_slice %get3A_177 {offsets = [0], sizes = [1], strides = [1]} : vector<16xi32> to vector<1xi32>
    %squeeze3A_179 = vector.extract %slice3A_178[0] : i32 from vector<1xi32>
    %gt3A_180 = arith.constant 11 : i32
    %gt3A_181 = arith.cmpi sgt, %arg1, %gt3A_180 : i32
    %jit3A_182 = arith.constant 0 : i32
    %select_n3A_183 = arith.select %gt3A_181, %squeeze3A_179, %jit3A_182 : i32
    %add3A_184 = arith.addi %add3A_174, %select_n3A_183 : i32
    %add3A_185 = arith.addi %add3A_175, %squeeze3A_179 : i32
    %get3A_186 = arith.constant 192 : index
    %get3A_187 = tpu.vector_load %arg14[%get3A_186] {strides = array<i32>} : memref<256xi32, #tpu.memory_space<vmem>>, vector<16xi32>,
    %slice3A_188 = vector.extract_strided_slice %get3A_187 {offsets = [0], sizes = [1], strides = [1]} : vector<16xi32> to vector<1xi32>
    %squeeze3A_189 = vector.extract %slice3A_188[0] : i32 from vector<1xi32>
    %gt3A_190 = arith.constant 12 : i32
    %gt3A_191 = arith.cmpi sgt, %arg1, %gt3A_190 : i32
    %jit3A_192 = arith.constant 0 : i32
    %select_n3A_193 = arith.select %gt3A_191, %squeeze3A_189, %jit3A_192 : i32
    %add3A_194 = arith.addi %add3A_184, %select_n3A_193 : i32
    %add3A_195 = arith.addi %add3A_185, %squeeze3A_189 : i32
    %get3A_196 = arith.constant 208 : index
    %get3A_197 = tpu.vector_load %arg14[%get3A_196] {strides = array<i32>} : memref<256xi32, #tpu.memory_space<vmem>>, vector<16xi32>,
    %slice3A_198 = vector.extract_strided_slice %get3A_197 {offsets = [0], sizes = [1], strides = [1]} : vector<16xi32> to vector<1xi32>
    %squeeze3A_199 = vector.extract %slice3A_198[0] : i32 from vector<1xi32>
    %gt3A_200 = arith.constant 13 : i32
    %gt3A_201 = arith.cmpi sgt, %arg1, %gt3A_200 : i32
    %jit3A_202 = arith.constant 0 : i32
    %select_n3A_203 = arith.select %gt3A_201, %squeeze3A_199, %jit3A_202 : i32
    %add3A_204 = arith.addi %add3A_194, %select_n3A_203 : i32
    %add3A_205 = arith.addi %add3A_195, %squeeze3A_199 : i32
    %get3A_206 = arith.constant 224 : index
    %get3A_207 = tpu.vector_load %arg14[%get3A_206] {strides = array<i32>} : memref<256xi32, #tpu.memory_space<vmem>>, vector<16xi32>,
    %slice3A_208 = vector.extract_strided_slice %get3A_207 {offsets = [0], sizes = [1], strides = [1]} : vector<16xi32> to vector<1xi32>
    %squeeze3A_209 = vector.extract %slice3A_208[0] : i32 from vector<1xi32>
    %gt3A_210 = arith.constant 14 : i32
    %gt3A_211 = arith.cmpi sgt, %arg1, %gt3A_210 : i32
    %jit3A_212 = arith.constant 0 : i32
    %select_n3A_213 = arith.select %gt3A_211, %squeeze3A_209, %jit3A_212 : i32
    %add3A_214 = arith.addi %add3A_204, %select_n3A_213 : i32
    %add3A_215 = arith.addi %add3A_205, %squeeze3A_209 : i32
    %get3A_216 = arith.constant 240 : index
    %get3A_217 = tpu.vector_load %arg14[%get3A_216] {strides = array<i32>} : memref<256xi32, #tpu.memory_space<vmem>>, vector<16xi32>,
    %slice3A_218 = vector.extract_strided_slice %get3A_217 {offsets = [0], sizes = [1], strides = [1]} : vector<16xi32> to vector<1xi32>
    %squeeze3A_219 = vector.extract %slice3A_218[0] : i32 from vector<1xi32>
    %gt3A_220 = arith.constant 15 : i32
    %gt3A_221 = arith.cmpi sgt, %arg1, %gt3A_220 : i32
    %jit3A_222 = arith.constant 0 : i32
    %select_n3A_223 = arith.select %gt3A_221, %squeeze3A_219, %jit3A_222 : i32
    %add3A_224 = arith.addi %add3A_214, %select_n3A_223 : i32
    %add3A_225 = arith.addi %add3A_215, %squeeze3A_219 : i32
    %mul3A_226 = arith.constant 262144 : i32
    %mul3A_227 = arith.muli %arg0, %mul3A_226 : i32
    %add3A_228 = arith.addi %mul3A_227, %add3A_224 : i32
    %multiple_of3A = tpu.assume_multiple %add3A_228, 128 : i32
    %broadcast_in_dim3A_229 = vector.broadcast %multiple_of3A : i32 to vector<16xi32>
    %swap3A_230 = arith.constant 0 : index
    %swap3A_231 = tpu.vector_load %arg13[%swap3A_230] {strides = array<i32>} : memref<16xi32, #tpu.memory_space<vmem>>, vector<16xi32>,
    tpu.vector_store %arg13[%swap3A_230], %broadcast_in_dim3A_229 {strides = array<i32>} : memref<16xi32, #tpu.memory_space<vmem>>, vector<16xi32>,
    "tpu.region"() ({
      %run_scoped3A = tpu.sem_alloc : memref<!tpu.dma_semaphore, #tpu.memory_space<semaphore_mem>>
      %dma_start3A = arith.constant 0 : i32
      %dma_start3A_239 = tpu.memref_slice %arg7[%add3A, %dma_start3A] : memref<32x16xi32, #tpu.memory_space<hbm>> -> memref<1x16xi32, #tpu.memory_space<hbm>>
      %dma_start3A_240 = tpu.memref_squeeze %dma_start3A_239 : memref<1x16xi32, #tpu.memory_space<hbm>> -> memref<16xi32, #tpu.memory_space<hbm>>
      %dma_start3A_241 = arith.constant 0 : i32
      %dma_start3A_242 = tpu.memref_slice %arg7[%add3A, %dma_start3A_241] : memref<32x16xi32, #tpu.memory_space<hbm>> -> memref<1x16xi32, #tpu.memory_space<hbm>>
      %dma_start3A_243 = tpu.memref_squeeze %dma_start3A_242 : memref<1x16xi32, #tpu.memory_space<hbm>> -> memref<16xi32, #tpu.memory_space<hbm>>
      tpu.enqueue_dma source(%arg13 : memref<16xi32, #tpu.memory_space<vmem>>) target(%dma_start3A_243 : memref<16xi32, #tpu.memory_space<hbm>>) target_semaphore(%run_scoped3A : memref<!tpu.dma_semaphore, #tpu.memory_space<semaphore_mem>>)
      %dma_wait3A = arith.constant 0 : i32
      %dma_wait3A_244 = tpu.memref_slice %arg7[%add3A, %dma_wait3A] : memref<32x16xi32, #tpu.memory_space<hbm>> -> memref<1x16xi32, #tpu.memory_space<hbm>>
      %dma_wait3A_245 = tpu.memref_squeeze %dma_wait3A_244 : memref<1x16xi32, #tpu.memory_space<hbm>> -> memref<16xi32, #tpu.memory_space<hbm>>
      %dma_wait3A_246 = arith.constant 0 : i32
      %dma_wait3A_247 = tpu.memref_slice %arg7[%add3A, %dma_wait3A_246] : memref<32x16xi32, #tpu.memory_space<hbm>> -> memref<1x16xi32, #tpu.memory_space<hbm>>
      %dma_wait3A_248 = tpu.memref_squeeze %dma_wait3A_247 : memref<1x16xi32, #tpu.memory_space<hbm>> -> memref<16xi32, #tpu.memory_space<hbm>>
      tpu.wait_dma2 semaphore(%run_scoped3A : memref<!tpu.dma_semaphore, #tpu.memory_space<semaphore_mem>>) src(%arg13 : memref<16xi32, #tpu.memory_space<vmem>>) dst(%dma_wait3A_248 : memref<16xi32, #tpu.memory_space<hbm>>)
      tpu.yield
    }) : () -> ()
    %eq3A = arith.constant 0 : i32
    %eq3A_232 = arith.cmpi eq, %arg1, %eq3A : i32
    %convert_element_type3A = arith.extui %eq3A_232 : i1 to i32
    %cond3A = arith.constant 0 : i32
    %cond3A_233 = arith.cmpi ne, %convert_element_type3A, %cond3A : i32
    scf.if %cond3A_233 {
      %broadcast_in_dim3A_239 = vector.broadcast %add3A_225 : i32 to vector<16xi32>
      %swap3A_240 = arith.constant 0 : index
      %swap3A_241 = tpu.vector_load %arg13[%swap3A_240] {strides = array<i32>} : memref<16xi32, #tpu.memory_space<vmem>>, vector<16xi32>,
      tpu.vector_store %arg13[%swap3A_240], %broadcast_in_dim3A_239 {strides = array<i32>} : memref<16xi32, #tpu.memory_space<vmem>>, vector<16xi32>,
      "tpu.region"() ({
        %run_scoped3A = tpu.sem_alloc : memref<!tpu.dma_semaphore, #tpu.memory_space<semaphore_mem>>
        %dma_start3A = arith.constant 0 : i32
        %dma_start3A_242 = tpu.memref_slice %arg8[%arg0, %dma_start3A] : memref<2x16xi32, #tpu.memory_space<hbm>> -> memref<1x16xi32, #tpu.memory_space<hbm>>
        %dma_start3A_243 = tpu.memref_squeeze %dma_start3A_242 : memref<1x16xi32, #tpu.memory_space<hbm>> -> memref<16xi32, #tpu.memory_space<hbm>>
        %dma_start3A_244 = arith.constant 0 : i32
        %dma_start3A_245 = tpu.memref_slice %arg8[%arg0, %dma_start3A_244] : memref<2x16xi32, #tpu.memory_space<hbm>> -> memref<1x16xi32, #tpu.memory_space<hbm>>
        %dma_start3A_246 = tpu.memref_squeeze %dma_start3A_245 : memref<1x16xi32, #tpu.memory_space<hbm>> -> memref<16xi32, #tpu.memory_space<hbm>>
        tpu.enqueue_dma source(%arg13 : memref<16xi32, #tpu.memory_space<vmem>>) target(%dma_start3A_246 : memref<16xi32, #tpu.memory_space<hbm>>) target_semaphore(%run_scoped3A : memref<!tpu.dma_semaphore, #tpu.memory_space<semaphore_mem>>)
        %dma_wait3A = arith.constant 0 : i32
        %dma_wait3A_247 = tpu.memref_slice %arg8[%arg0, %dma_wait3A] : memref<2x16xi32, #tpu.memory_space<hbm>> -> memref<1x16xi32, #tpu.memory_space<hbm>>
        %dma_wait3A_248 = tpu.memref_squeeze %dma_wait3A_247 : memref<1x16xi32, #tpu.memory_space<hbm>> -> memref<16xi32, #tpu.memory_space<hbm>>
        %dma_wait3A_249 = arith.constant 0 : i32
        %dma_wait3A_250 = tpu.memref_slice %arg8[%arg0, %dma_wait3A_249] : memref<2x16xi32, #tpu.memory_space<hbm>> -> memref<1x16xi32, #tpu.memory_space<hbm>>
        %dma_wait3A_251 = tpu.memref_squeeze %dma_wait3A_250 : memref<1x16xi32, #tpu.memory_space<hbm>> -> memref<16xi32, #tpu.memory_space<hbm>>
        tpu.wait_dma2 semaphore(%run_scoped3A : memref<!tpu.dma_semaphore, #tpu.memory_space<semaphore_mem>>) src(%arg13 : memref<16xi32, #tpu.memory_space<vmem>>) dst(%dma_wait3A_251 : memref<16xi32, #tpu.memory_space<hbm>>)
        tpu.yield
      }) : () -> ()
    } else {
    }
    %gt3A_234 = arith.constant 0 : i32
    %gt3A_235 = arith.cmpi sgt, %select_n3A, %gt3A_234 : i32
    %convert_element_type3A_236 = arith.extui %gt3A_235 : i1 to i32
    %cond3A_237 = arith.constant 0 : i32
    %cond3A_238 = arith.cmpi ne, %convert_element_type3A_236, %cond3A_237 : i32
    scf.if %cond3A_238 {
      %dma_start3A = arith.constant 0 : i32
      %dma_start3A_239 = tpu.memref_slice %arg10[%dma_start3A] : memref<16512xi32, #tpu.memory_space<vmem>> -> memref<128xi32, #tpu.memory_space<vmem>>
      %dma_start3A_240 = arith.constant 0 : i32
      %dma_start3A_241 = arith.constant 0 : i32
      %dma_start3A_242 = tpu.memref_slice %arg3[%dma_start3A_240, %dma_start3A_241] : memref<524288x128xf32, #tpu.memory_space<hbm>> -> memref<524288x128xf32, #tpu.memory_space<hbm>>
      tpu.enqueue_indirect_dma source(%dma_start3A_242 : memref<524288x128xf32, #tpu.memory_space<hbm>>) target(%arg11 : memref<128x128xf32, #tpu.memory_space<vmem>>) offsets(%dma_start3A_239 : memref<128xi32, #tpu.memory_space<vmem>>) semaphore(%arg16 : memref<!tpu.dma_semaphore, #tpu.memory_space<semaphore_mem>>)
      %sub3A_243 = arith.constant 0 : i32
      %sub3A_244 = arith.subi %select_n3A, %sub3A_243 : i32
      %sub3A_245 = arith.constant 1 : i32
      %sub3A_246 = arith.constant 1 : i32
      %sub3A_247 = arith.subi %sub3A_245, %sub3A_246 : i32
      %add3A_248 = arith.addi %sub3A_244, %sub3A_247 : i32
      %div3A_249 = arith.constant 1 : i32
      %div3A_250 = arith.divsi %add3A_248, %div3A_249 : i32
      %while3A = arith.constant 1 : i32
      %while3A_251 = arith.constant 0 : i32
      %while3A_252 = arith.constant 0 : i32
      %while3A_253 = arith.subi %div3A_250, %while3A_252 : i32
      %while3A_254 = arith.addi %while3A_252, %while3A_253 : i32
      %while3A_255 = arith.constant 1 : i32
      %while3A_256 = arith.divsi %while3A_253, %while3A_255 : i32
      %while3A_257 = arith.muli %while3A_256, %while3A_255 : i32
      %while3A_258 = arith.addi %while3A_252, %while3A_257 : i32
      %while3A_259 = arith.constant 1 : i32
      scf.for %while3A_275 = %while3A_252 to %while3A_258 step %while3A_259  : i32 {
        %mul3A_276 = arith.muli %while3A_275, %while3A : i32
        %add3A_277 = arith.addi %while3A_251, %mul3A_276 : i32
        %rem3A_278 = arith.constant 2 : i32
        %rem3A_279 = arith.remsi %add3A_277, %rem3A_278 : i32
        %eq3A_280 = arith.constant 0 : i32
        %eq3A_281 = arith.cmpi eq, %rem3A_279, %eq3A_280 : i32
        %convert_element_type3A_282 = arith.extui %eq3A_281 : i1 to i32
        %cond3A_283 = arith.constant 0 : i32
        %cond3A_284 = arith.cmpi ne, %convert_element_type3A_282, %cond3A_283 : i32
        scf.if %cond3A_284 {
          %dma_wait3A = arith.constant 0 : i32
          %dma_wait3A_289 = arith.constant 0 : i32
          %dma_wait3A_290 = tpu.memref_slice %arg3[%dma_wait3A, %dma_wait3A_289] : memref<524288x128xf32, #tpu.memory_space<hbm>> -> memref<128x128xf32, #tpu.memory_space<hbm>>
          %dma_wait3A_291 = arith.constant 0 : i32
          %dma_wait3A_292 = arith.constant 0 : i32
          %dma_wait3A_293 = tpu.memref_slice %arg3[%dma_wait3A_291, %dma_wait3A_292] : memref<524288x128xf32, #tpu.memory_space<hbm>> -> memref<128x128xf32, #tpu.memory_space<hbm>>
          tpu.wait_dma2 semaphore(%arg16 : memref<!tpu.dma_semaphore, #tpu.memory_space<semaphore_mem>>) src(%dma_wait3A_293 : memref<128x128xf32, #tpu.memory_space<hbm>>) dst(%arg11 : memref<128x128xf32, #tpu.memory_space<vmem>>)
          %add3A_294 = arith.constant 1 : i32
          %add3A_295 = arith.addi %add3A_277, %add3A_294 : i32
          %lt3A = arith.cmpi slt, %add3A_295, %select_n3A : i32
          %convert_element_type3A_296 = arith.extui %lt3A : i1 to i32
          %cond3A_297 = arith.constant 0 : i32
          %cond3A_298 = arith.cmpi ne, %convert_element_type3A_296, %cond3A_297 : i32
          scf.if %cond3A_298 {
            %ge3A = arith.constant 1 : i32
            %ge3A_306 = arith.cmpi sge, %add3A_277, %ge3A : i32
            %convert_element_type3A_307 = arith.extui %ge3A_306 : i1 to i32
            %cond3A_308 = arith.constant 0 : i32
            %cond3A_309 = arith.cmpi ne, %convert_element_type3A_307, %cond3A_308 : i32
            scf.if %cond3A_309 {
              %dma_wait3A_318 = arith.constant 0 : i32
              %dma_wait3A_319 = arith.constant 0 : i32
              %dma_wait3A_320 = tpu.memref_slice %arg4[%dma_wait3A_318, %dma_wait3A_319] : memref<524288x128xf32, #tpu.memory_space<hbm>> -> memref<128x128xf32, #tpu.memory_space<hbm>>
              %dma_wait3A_321 = arith.constant 0 : i32
              %dma_wait3A_322 = arith.constant 0 : i32
              %dma_wait3A_323 = tpu.memref_slice %arg4[%dma_wait3A_321, %dma_wait3A_322] : memref<524288x128xf32, #tpu.memory_space<hbm>> -> memref<128x128xf32, #tpu.memory_space<hbm>>
              tpu.wait_dma2 semaphore(%arg19 : memref<!tpu.dma_semaphore, #tpu.memory_space<semaphore_mem>>) src(%arg12 : memref<128x128xf32, #tpu.memory_space<vmem>>) dst(%dma_wait3A_323 : memref<128x128xf32, #tpu.memory_space<hbm>>)
            } else {
            }
            %add3A_310 = arith.constant 1 : i32
            %add3A_311 = arith.addi %add3A_277, %add3A_310 : i32
            %mul3A_312 = arith.constant 128 : i32
            %mul3A_313 = arith.muli %add3A_311, %mul3A_312 : i32
            %dma_start3A_314 = tpu.memref_slice %arg10[%mul3A_313] : memref<16512xi32, #tpu.memory_space<vmem>> -> memref<128xi32, #tpu.memory_space<vmem>>
            %dma_start3A_315 = arith.constant 0 : i32
            %dma_start3A_316 = arith.constant 0 : i32
            %dma_start3A_317 = tpu.memref_slice %arg3[%dma_start3A_315, %dma_start3A_316] : memref<524288x128xf32, #tpu.memory_space<hbm>> -> memref<524288x128xf32, #tpu.memory_space<hbm>>
            tpu.enqueue_indirect_dma source(%dma_start3A_317 : memref<524288x128xf32, #tpu.memory_space<hbm>>) target(%arg12 : memref<128x128xf32, #tpu.memory_space<vmem>>) offsets(%dma_start3A_314 : memref<128xi32, #tpu.memory_space<vmem>>) semaphore(%arg17 : memref<!tpu.dma_semaphore, #tpu.memory_space<semaphore_mem>>)
          } else {
          }
          %mul3A_299 = arith.constant 128 : i32
          %mul3A_300 = arith.muli %add3A_277, %mul3A_299 : i32
          %add3A_301 = arith.addi %multiple_of3A, %mul3A_300 : i32
          %dma_start3A_302 = arith.constant 0 : i32
          %dma_start3A_303 = tpu.memref_slice %arg4[%add3A_301, %dma_start3A_302] : memref<524288x128xf32, #tpu.memory_space<hbm>> -> memref<128x128xf32, #tpu.memory_space<hbm>>
          %dma_start3A_304 = arith.constant 0 : i32
          %dma_start3A_305 = tpu.memref_slice %arg4[%add3A_301, %dma_start3A_304] : memref<524288x128xf32, #tpu.memory_space<hbm>> -> memref<128x128xf32, #tpu.memory_space<hbm>>
          tpu.enqueue_dma source(%arg11 : memref<128x128xf32, #tpu.memory_space<vmem>>) target(%dma_start3A_305 : memref<128x128xf32, #tpu.memory_space<hbm>>) target_semaphore(%arg18 : memref<!tpu.dma_semaphore, #tpu.memory_space<semaphore_mem>>)
        } else {
        }
        %not3A = arith.constant true
        %not3A_285 = arith.xori %eq3A_281, %not3A : i1
        %convert_element_type3A_286 = arith.extui %not3A_285 : i1 to i32
        %cond3A_287 = arith.constant 0 : i32
        %cond3A_288 = arith.cmpi ne, %convert_element_type3A_286, %cond3A_287 : i32
        scf.if %cond3A_288 {
          %dma_wait3A = arith.constant 0 : i32
          %dma_wait3A_289 = arith.constant 0 : i32
          %dma_wait3A_290 = tpu.memref_slice %arg3[%dma_wait3A, %dma_wait3A_289] : memref<524288x128xf32, #tpu.memory_space<hbm>> -> memref<128x128xf32, #tpu.memory_space<hbm>>
          %dma_wait3A_291 = arith.constant 0 : i32
          %dma_wait3A_292 = arith.constant 0 : i32
          %dma_wait3A_293 = tpu.memref_slice %arg3[%dma_wait3A_291, %dma_wait3A_292] : memref<524288x128xf32, #tpu.memory_space<hbm>> -> memref<128x128xf32, #tpu.memory_space<hbm>>
          tpu.wait_dma2 semaphore(%arg17 : memref<!tpu.dma_semaphore, #tpu.memory_space<semaphore_mem>>) src(%dma_wait3A_293 : memref<128x128xf32, #tpu.memory_space<hbm>>) dst(%arg12 : memref<128x128xf32, #tpu.memory_space<vmem>>)
          %add3A_294 = arith.constant 1 : i32
          %add3A_295 = arith.addi %add3A_277, %add3A_294 : i32
          %lt3A = arith.cmpi slt, %add3A_295, %select_n3A : i32
          %convert_element_type3A_296 = arith.extui %lt3A : i1 to i32
          %cond3A_297 = arith.constant 0 : i32
          %cond3A_298 = arith.cmpi ne, %convert_element_type3A_296, %cond3A_297 : i32
          scf.if %cond3A_298 {
            %dma_wait3A_306 = arith.constant 0 : i32
            %dma_wait3A_307 = arith.constant 0 : i32
            %dma_wait3A_308 = tpu.memref_slice %arg4[%dma_wait3A_306, %dma_wait3A_307] : memref<524288x128xf32, #tpu.memory_space<hbm>> -> memref<128x128xf32, #tpu.memory_space<hbm>>
            %dma_wait3A_309 = arith.constant 0 : i32
            %dma_wait3A_310 = arith.constant 0 : i32
            %dma_wait3A_311 = tpu.memref_slice %arg4[%dma_wait3A_309, %dma_wait3A_310] : memref<524288x128xf32, #tpu.memory_space<hbm>> -> memref<128x128xf32, #tpu.memory_space<hbm>>
            tpu.wait_dma2 semaphore(%arg18 : memref<!tpu.dma_semaphore, #tpu.memory_space<semaphore_mem>>) src(%arg11 : memref<128x128xf32, #tpu.memory_space<vmem>>) dst(%dma_wait3A_311 : memref<128x128xf32, #tpu.memory_space<hbm>>)
            %add3A_312 = arith.constant 1 : i32
            %add3A_313 = arith.addi %add3A_277, %add3A_312 : i32
            %mul3A_314 = arith.constant 128 : i32
            %mul3A_315 = arith.muli %add3A_313, %mul3A_314 : i32
            %dma_start3A_316 = tpu.memref_slice %arg10[%mul3A_315] : memref<16512xi32, #tpu.memory_space<vmem>> -> memref<128xi32, #tpu.memory_space<vmem>>
            %dma_start3A_317 = arith.constant 0 : i32
            %dma_start3A_318 = arith.constant 0 : i32
            %dma_start3A_319 = tpu.memref_slice %arg3[%dma_start3A_317, %dma_start3A_318] : memref<524288x128xf32, #tpu.memory_space<hbm>> -> memref<524288x128xf32, #tpu.memory_space<hbm>>
            tpu.enqueue_indirect_dma source(%dma_start3A_319 : memref<524288x128xf32, #tpu.memory_space<hbm>>) target(%arg11 : memref<128x128xf32, #tpu.memory_space<vmem>>) offsets(%dma_start3A_316 : memref<128xi32, #tpu.memory_space<vmem>>) semaphore(%arg16 : memref<!tpu.dma_semaphore, #tpu.memory_space<semaphore_mem>>)
          } else {
          }
          %mul3A_299 = arith.constant 128 : i32
          %mul3A_300 = arith.muli %add3A_277, %mul3A_299 : i32
          %add3A_301 = arith.addi %multiple_of3A, %mul3A_300 : i32
          %dma_start3A_302 = arith.constant 0 : i32
          %dma_start3A_303 = tpu.memref_slice %arg4[%add3A_301, %dma_start3A_302] : memref<524288x128xf32, #tpu.memory_space<hbm>> -> memref<128x128xf32, #tpu.memory_space<hbm>>
          %dma_start3A_304 = arith.constant 0 : i32
          %dma_start3A_305 = tpu.memref_slice %arg4[%add3A_301, %dma_start3A_304] : memref<524288x128xf32, #tpu.memory_space<hbm>> -> memref<128x128xf32, #tpu.memory_space<hbm>>
          tpu.enqueue_dma source(%arg12 : memref<128x128xf32, #tpu.memory_space<vmem>>) target(%dma_start3A_305 : memref<128x128xf32, #tpu.memory_space<hbm>>) target_semaphore(%arg19 : memref<!tpu.dma_semaphore, #tpu.memory_space<semaphore_mem>>)
        } else {
        }
      }
      %while3A_260 = arith.constant 1 : i32
      scf.for %while3A_275 = %while3A_258 to %while3A_254 step %while3A_260  : i32 {
        %mul3A_276 = arith.muli %while3A_275, %while3A : i32
        %add3A_277 = arith.addi %while3A_251, %mul3A_276 : i32
        %rem3A_278 = arith.constant 2 : i32
        %rem3A_279 = arith.remsi %add3A_277, %rem3A_278 : i32
        %eq3A_280 = arith.constant 0 : i32
        %eq3A_281 = arith.cmpi eq, %rem3A_279, %eq3A_280 : i32
        %convert_element_type3A_282 = arith.extui %eq3A_281 : i1 to i32
        %cond3A_283 = arith.constant 0 : i32
        %cond3A_284 = arith.cmpi ne, %convert_element_type3A_282, %cond3A_283 : i32
        scf.if %cond3A_284 {
          %dma_wait3A = arith.constant 0 : i32
          %dma_wait3A_289 = arith.constant 0 : i32
          %dma_wait3A_290 = tpu.memref_slice %arg3[%dma_wait3A, %dma_wait3A_289] : memref<524288x128xf32, #tpu.memory_space<hbm>> -> memref<128x128xf32, #tpu.memory_space<hbm>>
          %dma_wait3A_291 = arith.constant 0 : i32
          %dma_wait3A_292 = arith.constant 0 : i32
          %dma_wait3A_293 = tpu.memref_slice %arg3[%dma_wait3A_291, %dma_wait3A_292] : memref<524288x128xf32, #tpu.memory_space<hbm>> -> memref<128x128xf32, #tpu.memory_space<hbm>>
          tpu.wait_dma2 semaphore(%arg16 : memref<!tpu.dma_semaphore, #tpu.memory_space<semaphore_mem>>) src(%dma_wait3A_293 : memref<128x128xf32, #tpu.memory_space<hbm>>) dst(%arg11 : memref<128x128xf32, #tpu.memory_space<vmem>>)
          %add3A_294 = arith.constant 1 : i32
          %add3A_295 = arith.addi %add3A_277, %add3A_294 : i32
          %lt3A = arith.cmpi slt, %add3A_295, %select_n3A : i32
          %convert_element_type3A_296 = arith.extui %lt3A : i1 to i32
          %cond3A_297 = arith.constant 0 : i32
          %cond3A_298 = arith.cmpi ne, %convert_element_type3A_296, %cond3A_297 : i32
          scf.if %cond3A_298 {
            %ge3A = arith.constant 1 : i32
            %ge3A_306 = arith.cmpi sge, %add3A_277, %ge3A : i32
            %convert_element_type3A_307 = arith.extui %ge3A_306 : i1 to i32
            %cond3A_308 = arith.constant 0 : i32
            %cond3A_309 = arith.cmpi ne, %convert_element_type3A_307, %cond3A_308 : i32
            scf.if %cond3A_309 {
              %dma_wait3A_318 = arith.constant 0 : i32
              %dma_wait3A_319 = arith.constant 0 : i32
              %dma_wait3A_320 = tpu.memref_slice %arg4[%dma_wait3A_318, %dma_wait3A_319] : memref<524288x128xf32, #tpu.memory_space<hbm>> -> memref<128x128xf32, #tpu.memory_space<hbm>>
              %dma_wait3A_321 = arith.constant 0 : i32
              %dma_wait3A_322 = arith.constant 0 : i32
              %dma_wait3A_323 = tpu.memref_slice %arg4[%dma_wait3A_321, %dma_wait3A_322] : memref<524288x128xf32, #tpu.memory_space<hbm>> -> memref<128x128xf32, #tpu.memory_space<hbm>>
              tpu.wait_dma2 semaphore(%arg19 : memref<!tpu.dma_semaphore, #tpu.memory_space<semaphore_mem>>) src(%arg12 : memref<128x128xf32, #tpu.memory_space<vmem>>) dst(%dma_wait3A_323 : memref<128x128xf32, #tpu.memory_space<hbm>>)
            } else {
            }
            %add3A_310 = arith.constant 1 : i32
            %add3A_311 = arith.addi %add3A_277, %add3A_310 : i32
            %mul3A_312 = arith.constant 128 : i32
            %mul3A_313 = arith.muli %add3A_311, %mul3A_312 : i32
            %dma_start3A_314 = tpu.memref_slice %arg10[%mul3A_313] : memref<16512xi32, #tpu.memory_space<vmem>> -> memref<128xi32, #tpu.memory_space<vmem>>
            %dma_start3A_315 = arith.constant 0 : i32
            %dma_start3A_316 = arith.constant 0 : i32
            %dma_start3A_317 = tpu.memref_slice %arg3[%dma_start3A_315, %dma_start3A_316] : memref<524288x128xf32, #tpu.memory_space<hbm>> -> memref<524288x128xf32, #tpu.memory_space<hbm>>
            tpu.enqueue_indirect_dma source(%dma_start3A_317 : memref<524288x128xf32, #tpu.memory_space<hbm>>) target(%arg12 : memref<128x128xf32, #tpu.memory_space<vmem>>) offsets(%dma_start3A_314 : memref<128xi32, #tpu.memory_space<vmem>>) semaphore(%arg17 : memref<!tpu.dma_semaphore, #tpu.memory_space<semaphore_mem>>)
          } else {
          }
          %mul3A_299 = arith.constant 128 : i32
          %mul3A_300 = arith.muli %add3A_277, %mul3A_299 : i32
          %add3A_301 = arith.addi %multiple_of3A, %mul3A_300 : i32
          %dma_start3A_302 = arith.constant 0 : i32
          %dma_start3A_303 = tpu.memref_slice %arg4[%add3A_301, %dma_start3A_302] : memref<524288x128xf32, #tpu.memory_space<hbm>> -> memref<128x128xf32, #tpu.memory_space<hbm>>
          %dma_start3A_304 = arith.constant 0 : i32
          %dma_start3A_305 = tpu.memref_slice %arg4[%add3A_301, %dma_start3A_304] : memref<524288x128xf32, #tpu.memory_space<hbm>> -> memref<128x128xf32, #tpu.memory_space<hbm>>
          tpu.enqueue_dma source(%arg11 : memref<128x128xf32, #tpu.memory_space<vmem>>) target(%dma_start3A_305 : memref<128x128xf32, #tpu.memory_space<hbm>>) target_semaphore(%arg18 : memref<!tpu.dma_semaphore, #tpu.memory_space<semaphore_mem>>)
        } else {
        }
        %not3A = arith.constant true
        %not3A_285 = arith.xori %eq3A_281, %not3A : i1
        %convert_element_type3A_286 = arith.extui %not3A_285 : i1 to i32
        %cond3A_287 = arith.constant 0 : i32
        %cond3A_288 = arith.cmpi ne, %convert_element_type3A_286, %cond3A_287 : i32
        scf.if %cond3A_288 {
          %dma_wait3A = arith.constant 0 : i32
          %dma_wait3A_289 = arith.constant 0 : i32
          %dma_wait3A_290 = tpu.memref_slice %arg3[%dma_wait3A, %dma_wait3A_289] : memref<524288x128xf32, #tpu.memory_space<hbm>> -> memref<128x128xf32, #tpu.memory_space<hbm>>
          %dma_wait3A_291 = arith.constant 0 : i32
          %dma_wait3A_292 = arith.constant 0 : i32
          %dma_wait3A_293 = tpu.memref_slice %arg3[%dma_wait3A_291, %dma_wait3A_292] : memref<524288x128xf32, #tpu.memory_space<hbm>> -> memref<128x128xf32, #tpu.memory_space<hbm>>
          tpu.wait_dma2 semaphore(%arg17 : memref<!tpu.dma_semaphore, #tpu.memory_space<semaphore_mem>>) src(%dma_wait3A_293 : memref<128x128xf32, #tpu.memory_space<hbm>>) dst(%arg12 : memref<128x128xf32, #tpu.memory_space<vmem>>)
          %add3A_294 = arith.constant 1 : i32
          %add3A_295 = arith.addi %add3A_277, %add3A_294 : i32
          %lt3A = arith.cmpi slt, %add3A_295, %select_n3A : i32
          %convert_element_type3A_296 = arith.extui %lt3A : i1 to i32
          %cond3A_297 = arith.constant 0 : i32
          %cond3A_298 = arith.cmpi ne, %convert_element_type3A_296, %cond3A_297 : i32
          scf.if %cond3A_298 {
            %dma_wait3A_306 = arith.constant 0 : i32
            %dma_wait3A_307 = arith.constant 0 : i32
            %dma_wait3A_308 = tpu.memref_slice %arg4[%dma_wait3A_306, %dma_wait3A_307] : memref<524288x128xf32, #tpu.memory_space<hbm>> -> memref<128x128xf32, #tpu.memory_space<hbm>>
            %dma_wait3A_309 = arith.constant 0 : i32
            %dma_wait3A_310 = arith.constant 0 : i32
            %dma_wait3A_311 = tpu.memref_slice %arg4[%dma_wait3A_309, %dma_wait3A_310] : memref<524288x128xf32, #tpu.memory_space<hbm>> -> memref<128x128xf32, #tpu.memory_space<hbm>>
            tpu.wait_dma2 semaphore(%arg18 : memref<!tpu.dma_semaphore, #tpu.memory_space<semaphore_mem>>) src(%arg11 : memref<128x128xf32, #tpu.memory_space<vmem>>) dst(%dma_wait3A_311 : memref<128x128xf32, #tpu.memory_space<hbm>>)
            %add3A_312 = arith.constant 1 : i32
            %add3A_313 = arith.addi %add3A_277, %add3A_312 : i32
            %mul3A_314 = arith.constant 128 : i32
            %mul3A_315 = arith.muli %add3A_313, %mul3A_314 : i32
            %dma_start3A_316 = tpu.memref_slice %arg10[%mul3A_315] : memref<16512xi32, #tpu.memory_space<vmem>> -> memref<128xi32, #tpu.memory_space<vmem>>
            %dma_start3A_317 = arith.constant 0 : i32
            %dma_start3A_318 = arith.constant 0 : i32
            %dma_start3A_319 = tpu.memref_slice %arg3[%dma_start3A_317, %dma_start3A_318] : memref<524288x128xf32, #tpu.memory_space<hbm>> -> memref<524288x128xf32, #tpu.memory_space<hbm>>
            tpu.enqueue_indirect_dma source(%dma_start3A_319 : memref<524288x128xf32, #tpu.memory_space<hbm>>) target(%arg11 : memref<128x128xf32, #tpu.memory_space<vmem>>) offsets(%dma_start3A_316 : memref<128xi32, #tpu.memory_space<vmem>>) semaphore(%arg16 : memref<!tpu.dma_semaphore, #tpu.memory_space<semaphore_mem>>)
          } else {
          }
          %mul3A_299 = arith.constant 128 : i32
          %mul3A_300 = arith.muli %add3A_277, %mul3A_299 : i32
          %add3A_301 = arith.addi %multiple_of3A, %mul3A_300 : i32
          %dma_start3A_302 = arith.constant 0 : i32
          %dma_start3A_303 = tpu.memref_slice %arg4[%add3A_301, %dma_start3A_302] : memref<524288x128xf32, #tpu.memory_space<hbm>> -> memref<128x128xf32, #tpu.memory_space<hbm>>
          %dma_start3A_304 = arith.constant 0 : i32
          %dma_start3A_305 = tpu.memref_slice %arg4[%add3A_301, %dma_start3A_304] : memref<524288x128xf32, #tpu.memory_space<hbm>> -> memref<128x128xf32, #tpu.memory_space<hbm>>
          tpu.enqueue_dma source(%arg12 : memref<128x128xf32, #tpu.memory_space<vmem>>) target(%dma_start3A_305 : memref<128x128xf32, #tpu.memory_space<hbm>>) target_semaphore(%arg19 : memref<!tpu.dma_semaphore, #tpu.memory_space<semaphore_mem>>)
        } else {
        }
      }
      %rem3A_261 = arith.constant 2 : i32
      %rem3A_262 = arith.remsi %select_n3A, %rem3A_261 : i32
      %eq3A_263 = arith.constant 1 : i32
      %eq3A_264 = arith.cmpi eq, %rem3A_262, %eq3A_263 : i32
      %convert_element_type3A_265 = arith.extui %eq3A_264 : i1 to i32
      %cond3A_266 = arith.constant 0 : i32
      %cond3A_267 = arith.cmpi ne, %convert_element_type3A_265, %cond3A_266 : i32
      scf.if %cond3A_267 {
        %dma_wait3A = arith.constant 0 : i32
        %dma_wait3A_275 = arith.constant 0 : i32
        %dma_wait3A_276 = tpu.memref_slice %arg4[%dma_wait3A, %dma_wait3A_275] : memref<524288x128xf32, #tpu.memory_space<hbm>> -> memref<128x128xf32, #tpu.memory_space<hbm>>
        %dma_wait3A_277 = arith.constant 0 : i32
        %dma_wait3A_278 = arith.constant 0 : i32
        %dma_wait3A_279 = tpu.memref_slice %arg4[%dma_wait3A_277, %dma_wait3A_278] : memref<524288x128xf32, #tpu.memory_space<hbm>> -> memref<128x128xf32, #tpu.memory_space<hbm>>
        tpu.wait_dma2 semaphore(%arg18 : memref<!tpu.dma_semaphore, #tpu.memory_space<semaphore_mem>>) src(%arg11 : memref<128x128xf32, #tpu.memory_space<vmem>>) dst(%dma_wait3A_279 : memref<128x128xf32, #tpu.memory_space<hbm>>)
        %ge3A = arith.constant 2 : i32
        %ge3A_280 = arith.cmpi sge, %select_n3A, %ge3A : i32
        %convert_element_type3A_281 = arith.extui %ge3A_280 : i1 to i32
        %cond3A_282 = arith.constant 0 : i32
        %cond3A_283 = arith.cmpi ne, %convert_element_type3A_281, %cond3A_282 : i32
        scf.if %cond3A_283 {
          %dma_wait3A_284 = arith.constant 0 : i32
          %dma_wait3A_285 = arith.constant 0 : i32
          %dma_wait3A_286 = tpu.memref_slice %arg4[%dma_wait3A_284, %dma_wait3A_285] : memref<524288x128xf32, #tpu.memory_space<hbm>> -> memref<128x128xf32, #tpu.memory_space<hbm>>
          %dma_wait3A_287 = arith.constant 0 : i32
          %dma_wait3A_288 = arith.constant 0 : i32
          %dma_wait3A_289 = tpu.memref_slice %arg4[%dma_wait3A_287, %dma_wait3A_288] : memref<524288x128xf32, #tpu.memory_space<hbm>> -> memref<128x128xf32, #tpu.memory_space<hbm>>
          tpu.wait_dma2 semaphore(%arg19 : memref<!tpu.dma_semaphore, #tpu.memory_space<semaphore_mem>>) src(%arg12 : memref<128x128xf32, #tpu.memory_space<vmem>>) dst(%dma_wait3A_289 : memref<128x128xf32, #tpu.memory_space<hbm>>)
        } else {
        }
      } else {
      }
      %rem3A_268 = arith.constant 2 : i32
      %rem3A_269 = arith.remsi %select_n3A, %rem3A_268 : i32
      %eq3A_270 = arith.constant 0 : i32
      %eq3A_271 = arith.cmpi eq, %rem3A_269, %eq3A_270 : i32
      %convert_element_type3A_272 = arith.extui %eq3A_271 : i1 to i32
      %cond3A_273 = arith.constant 0 : i32
      %cond3A_274 = arith.cmpi ne, %convert_element_type3A_272, %cond3A_273 : i32
      scf.if %cond3A_274 {
        %dma_wait3A = arith.constant 0 : i32
        %dma_wait3A_275 = arith.constant 0 : i32
        %dma_wait3A_276 = tpu.memref_slice %arg4[%dma_wait3A, %dma_wait3A_275] : memref<524288x128xf32, #tpu.memory_space<hbm>> -> memref<128x128xf32, #tpu.memory_space<hbm>>
        %dma_wait3A_277 = arith.constant 0 : i32
        %dma_wait3A_278 = arith.constant 0 : i32
        %dma_wait3A_279 = tpu.memref_slice %arg4[%dma_wait3A_277, %dma_wait3A_278] : memref<524288x128xf32, #tpu.memory_space<hbm>> -> memref<128x128xf32, #tpu.memory_space<hbm>>
        tpu.wait_dma2 semaphore(%arg19 : memref<!tpu.dma_semaphore, #tpu.memory_space<semaphore_mem>>) src(%arg12 : memref<128x128xf32, #tpu.memory_space<vmem>>) dst(%dma_wait3A_279 : memref<128x128xf32, #tpu.memory_space<hbm>>)
        %dma_wait3A_280 = arith.constant 0 : i32
        %dma_wait3A_281 = arith.constant 0 : i32
        %dma_wait3A_282 = tpu.memref_slice %arg4[%dma_wait3A_280, %dma_wait3A_281] : memref<524288x128xf32, #tpu.memory_space<hbm>> -> memref<128x128xf32, #tpu.memory_space<hbm>>
        %dma_wait3A_283 = arith.constant 0 : i32
        %dma_wait3A_284 = arith.constant 0 : i32
        %dma_wait3A_285 = tpu.memref_slice %arg4[%dma_wait3A_283, %dma_wait3A_284] : memref<524288x128xf32, #tpu.memory_space<hbm>> -> memref<128x128xf32, #tpu.memory_space<hbm>>
        tpu.wait_dma2 semaphore(%arg18 : memref<!tpu.dma_semaphore, #tpu.memory_space<semaphore_mem>>) src(%arg11 : memref<128x128xf32, #tpu.memory_space<vmem>>) dst(%dma_wait3A_285 : memref<128x128xf32, #tpu.memory_space<hbm>>)
      } else {
      }
    } else {
    }
    return
  }
}

#map = affine_map<(d0, d1) -> (0, 0)>
#map1 = affine_map<(d0, d1) -> (0)>
module attributes {stable_mosaic.version = 14 : i64} {
  func.func @_sc_scatter(%arg0: i32, %arg1: i32, %arg2: memref<32x16384xi32, #tpu.memory_space<hbm>>, %arg3: memref<32x16xi32, #tpu.memory_space<hbm>>, %arg4: memref<32x16xi32, #tpu.memory_space<hbm>>, %arg5: memref<540672xf32, #tpu.memory_space<hbm>>, %arg6: memref<524288xf32, #tpu.memory_space<hbm>>, %arg7: memref<524288xf32, #tpu.memory_space<hbm>>, %arg8: memref<16384xi32, #tpu.memory_space<vmem>>, %arg9: memref<16384xf32, #tpu.memory_space<vmem>>, %arg10: memref<16384xf32, #tpu.memory_space<vmem>>, %arg11: memref<16xi32, #tpu.memory_space<vmem>>, %arg12: memref<16xi32, #tpu.memory_space<vmem>>) attributes {dimension_semantics = [#tpu.dimension_semantics<core_parallel>, #tpu.dimension_semantics<subcore_parallel>], iteration_bounds = array<i64: 2, 16>, scalar_prefetch = 0 : i64, scratch_operands = 5 : i64, tpu.core_type = #tpu.core_type<sc_vector_subcore>, window_params = [{transform_indices = #map}, {transform_indices = #map}, {transform_indices = #map}, {transform_indices = #map1}, {transform_indices = #map1}, {transform_indices = #map1}]} {
    %mul3A = arith.constant 2 : i32
    %mul3A_0 = arith.muli %arg1, %mul3A : i32
    %add3A = arith.addi %mul3A_0, %arg0 : i32
    %mul3A_1 = arith.constant 16384 : i32
    %mul3A_2 = arith.muli %add3A, %mul3A_1 : i32
    "tpu.region"() ({
      %run_scoped3A = tpu.sem_alloc : memref<!tpu.dma_semaphore, #tpu.memory_space<semaphore_mem>>
      %dma_start3A = arith.constant 0 : i32
      %dma_start3A_44 = tpu.memref_slice %arg3[%add3A, %dma_start3A] : memref<32x16xi32, #tpu.memory_space<hbm>> -> memref<1x16xi32, #tpu.memory_space<hbm>>
      %dma_start3A_45 = tpu.memref_squeeze %dma_start3A_44 : memref<1x16xi32, #tpu.memory_space<hbm>> -> memref<16xi32, #tpu.memory_space<hbm>>
      %dma_start3A_46 = arith.constant 0 : i32
      %dma_start3A_47 = tpu.memref_slice %arg3[%add3A, %dma_start3A_46] : memref<32x16xi32, #tpu.memory_space<hbm>> -> memref<1x16xi32, #tpu.memory_space<hbm>>
      %dma_start3A_48 = tpu.memref_squeeze %dma_start3A_47 : memref<1x16xi32, #tpu.memory_space<hbm>> -> memref<16xi32, #tpu.memory_space<hbm>>
      tpu.enqueue_dma source(%dma_start3A_48 : memref<16xi32, #tpu.memory_space<hbm>>) target(%arg11 : memref<16xi32, #tpu.memory_space<vmem>>) target_semaphore(%run_scoped3A : memref<!tpu.dma_semaphore, #tpu.memory_space<semaphore_mem>>)
      %dma_wait3A = arith.constant 0 : i32
      %dma_wait3A_49 = tpu.memref_slice %arg3[%add3A, %dma_wait3A] : memref<32x16xi32, #tpu.memory_space<hbm>> -> memref<1x16xi32, #tpu.memory_space<hbm>>
      %dma_wait3A_50 = tpu.memref_squeeze %dma_wait3A_49 : memref<1x16xi32, #tpu.memory_space<hbm>> -> memref<16xi32, #tpu.memory_space<hbm>>
      %dma_wait3A_51 = arith.constant 0 : i32
      %dma_wait3A_52 = tpu.memref_slice %arg3[%add3A, %dma_wait3A_51] : memref<32x16xi32, #tpu.memory_space<hbm>> -> memref<1x16xi32, #tpu.memory_space<hbm>>
      %dma_wait3A_53 = tpu.memref_squeeze %dma_wait3A_52 : memref<1x16xi32, #tpu.memory_space<hbm>> -> memref<16xi32, #tpu.memory_space<hbm>>
      tpu.wait_dma2 semaphore(%run_scoped3A : memref<!tpu.dma_semaphore, #tpu.memory_space<semaphore_mem>>) src(%dma_wait3A_53 : memref<16xi32, #tpu.memory_space<hbm>>) dst(%arg11 : memref<16xi32, #tpu.memory_space<vmem>>)
      tpu.yield
    }) : () -> ()
    "tpu.region"() ({
      %run_scoped3A = tpu.sem_alloc : memref<!tpu.dma_semaphore, #tpu.memory_space<semaphore_mem>>
      %dma_start3A = arith.constant 0 : i32
      %dma_start3A_44 = tpu.memref_slice %arg4[%add3A, %dma_start3A] : memref<32x16xi32, #tpu.memory_space<hbm>> -> memref<1x16xi32, #tpu.memory_space<hbm>>
      %dma_start3A_45 = tpu.memref_squeeze %dma_start3A_44 : memref<1x16xi32, #tpu.memory_space<hbm>> -> memref<16xi32, #tpu.memory_space<hbm>>
      %dma_start3A_46 = arith.constant 0 : i32
      %dma_start3A_47 = tpu.memref_slice %arg4[%add3A, %dma_start3A_46] : memref<32x16xi32, #tpu.memory_space<hbm>> -> memref<1x16xi32, #tpu.memory_space<hbm>>
      %dma_start3A_48 = tpu.memref_squeeze %dma_start3A_47 : memref<1x16xi32, #tpu.memory_space<hbm>> -> memref<16xi32, #tpu.memory_space<hbm>>
      tpu.enqueue_dma source(%dma_start3A_48 : memref<16xi32, #tpu.memory_space<hbm>>) target(%arg12 : memref<16xi32, #tpu.memory_space<vmem>>) target_semaphore(%run_scoped3A : memref<!tpu.dma_semaphore, #tpu.memory_space<semaphore_mem>>)
      %dma_wait3A = arith.constant 0 : i32
      %dma_wait3A_49 = tpu.memref_slice %arg4[%add3A, %dma_wait3A] : memref<32x16xi32, #tpu.memory_space<hbm>> -> memref<1x16xi32, #tpu.memory_space<hbm>>
      %dma_wait3A_50 = tpu.memref_squeeze %dma_wait3A_49 : memref<1x16xi32, #tpu.memory_space<hbm>> -> memref<16xi32, #tpu.memory_space<hbm>>
      %dma_wait3A_51 = arith.constant 0 : i32
      %dma_wait3A_52 = tpu.memref_slice %arg4[%add3A, %dma_wait3A_51] : memref<32x16xi32, #tpu.memory_space<hbm>> -> memref<1x16xi32, #tpu.memory_space<hbm>>
      %dma_wait3A_53 = tpu.memref_squeeze %dma_wait3A_52 : memref<1x16xi32, #tpu.memory_space<hbm>> -> memref<16xi32, #tpu.memory_space<hbm>>
      tpu.wait_dma2 semaphore(%run_scoped3A : memref<!tpu.dma_semaphore, #tpu.memory_space<semaphore_mem>>) src(%dma_wait3A_53 : memref<16xi32, #tpu.memory_space<hbm>>) dst(%arg12 : memref<16xi32, #tpu.memory_space<vmem>>)
      tpu.yield
    }) : () -> ()
    "tpu.region"() ({
      %run_scoped3A = tpu.sem_alloc : memref<!tpu.dma_semaphore, #tpu.memory_space<semaphore_mem>>
      %dma_start3A = arith.constant 0 : i32
      %dma_start3A_44 = tpu.memref_slice %arg2[%add3A, %dma_start3A] : memref<32x16384xi32, #tpu.memory_space<hbm>> -> memref<1x16384xi32, #tpu.memory_space<hbm>>
      %dma_start3A_45 = tpu.memref_squeeze %dma_start3A_44 : memref<1x16384xi32, #tpu.memory_space<hbm>> -> memref<16384xi32, #tpu.memory_space<hbm>>
      %dma_start3A_46 = arith.constant 0 : i32
      %dma_start3A_47 = tpu.memref_slice %arg2[%add3A, %dma_start3A_46] : memref<32x16384xi32, #tpu.memory_space<hbm>> -> memref<1x16384xi32, #tpu.memory_space<hbm>>
      %dma_start3A_48 = tpu.memref_squeeze %dma_start3A_47 : memref<1x16384xi32, #tpu.memory_space<hbm>> -> memref<16384xi32, #tpu.memory_space<hbm>>
      tpu.enqueue_dma source(%dma_start3A_48 : memref<16384xi32, #tpu.memory_space<hbm>>) target(%arg8 : memref<16384xi32, #tpu.memory_space<vmem>>) target_semaphore(%run_scoped3A : memref<!tpu.dma_semaphore, #tpu.memory_space<semaphore_mem>>)
      %dma_wait3A = arith.constant 0 : i32
      %dma_wait3A_49 = tpu.memref_slice %arg2[%add3A, %dma_wait3A] : memref<32x16384xi32, #tpu.memory_space<hbm>> -> memref<1x16384xi32, #tpu.memory_space<hbm>>
      %dma_wait3A_50 = tpu.memref_squeeze %dma_wait3A_49 : memref<1x16384xi32, #tpu.memory_space<hbm>> -> memref<16384xi32, #tpu.memory_space<hbm>>
      %dma_wait3A_51 = arith.constant 0 : i32
      %dma_wait3A_52 = tpu.memref_slice %arg2[%add3A, %dma_wait3A_51] : memref<32x16384xi32, #tpu.memory_space<hbm>> -> memref<1x16384xi32, #tpu.memory_space<hbm>>
      %dma_wait3A_53 = tpu.memref_squeeze %dma_wait3A_52 : memref<1x16384xi32, #tpu.memory_space<hbm>> -> memref<16384xi32, #tpu.memory_space<hbm>>
      tpu.wait_dma2 semaphore(%run_scoped3A : memref<!tpu.dma_semaphore, #tpu.memory_space<semaphore_mem>>) src(%dma_wait3A_53 : memref<16384xi32, #tpu.memory_space<hbm>>) dst(%arg8 : memref<16384xi32, #tpu.memory_space<vmem>>)
      tpu.yield
    }) : () -> ()
    %get3A = arith.constant 0 : index
    %get3A_3 = tpu.vector_load %arg12[%get3A] {strides = array<i32>} : memref<16xi32, #tpu.memory_space<vmem>>, vector<16xi32>,
    %slice3A = vector.extract_strided_slice %get3A_3 {offsets = [0], sizes = [1], strides = [1]} : vector<16xi32> to vector<1xi32>
    %squeeze3A = vector.extract %slice3A[0] : i32 from vector<1xi32>
    %multiple_of3A = tpu.assume_multiple %squeeze3A, 128 : i32
    "tpu.region"() ({
      %run_scoped3A = tpu.sem_alloc : memref<!tpu.dma_semaphore, #tpu.memory_space<semaphore_mem>>
      %dma_start3A = tpu.memref_slice %arg5[%multiple_of3A] : memref<540672xf32, #tpu.memory_space<hbm>> -> memref<16384xf32, #tpu.memory_space<hbm>>
      %dma_start3A_44 = tpu.memref_slice %arg5[%multiple_of3A] : memref<540672xf32, #tpu.memory_space<hbm>> -> memref<16384xf32, #tpu.memory_space<hbm>>
      tpu.enqueue_dma source(%dma_start3A_44 : memref<16384xf32, #tpu.memory_space<hbm>>) target(%arg9 : memref<16384xf32, #tpu.memory_space<vmem>>) target_semaphore(%run_scoped3A : memref<!tpu.dma_semaphore, #tpu.memory_space<semaphore_mem>>)
      %dma_wait3A = tpu.memref_slice %arg5[%multiple_of3A] : memref<540672xf32, #tpu.memory_space<hbm>> -> memref<16384xf32, #tpu.memory_space<hbm>>
      %dma_wait3A_45 = tpu.memref_slice %arg5[%multiple_of3A] : memref<540672xf32, #tpu.memory_space<hbm>> -> memref<16384xf32, #tpu.memory_space<hbm>>
      tpu.wait_dma2 semaphore(%run_scoped3A : memref<!tpu.dma_semaphore, #tpu.memory_space<semaphore_mem>>) src(%dma_wait3A_45 : memref<16384xf32, #tpu.memory_space<hbm>>) dst(%arg9 : memref<16384xf32, #tpu.memory_space<vmem>>)
      tpu.yield
    }) : () -> ()
    "tpu.region"() ({
      %run_scoped3A = tpu.sem_alloc : memref<!tpu.dma_semaphore, #tpu.memory_space<semaphore_mem>>
      %dma_start3A = tpu.memref_slice %arg6[%mul3A_2] : memref<524288xf32, #tpu.memory_space<hbm>> -> memref<16384xf32, #tpu.memory_space<hbm>>
      %dma_start3A_44 = tpu.memref_slice %arg6[%mul3A_2] : memref<524288xf32, #tpu.memory_space<hbm>> -> memref<16384xf32, #tpu.memory_space<hbm>>
      tpu.enqueue_dma source(%dma_start3A_44 : memref<16384xf32, #tpu.memory_space<hbm>>) target(%arg10 : memref<16384xf32, #tpu.memory_space<vmem>>) target_semaphore(%run_scoped3A : memref<!tpu.dma_semaphore, #tpu.memory_space<semaphore_mem>>)
      %dma_wait3A = tpu.memref_slice %arg6[%mul3A_2] : memref<524288xf32, #tpu.memory_space<hbm>> -> memref<16384xf32, #tpu.memory_space<hbm>>
      %dma_wait3A_45 = tpu.memref_slice %arg6[%mul3A_2] : memref<524288xf32, #tpu.memory_space<hbm>> -> memref<16384xf32, #tpu.memory_space<hbm>>
      tpu.wait_dma2 semaphore(%run_scoped3A : memref<!tpu.dma_semaphore, #tpu.memory_space<semaphore_mem>>) src(%dma_wait3A_45 : memref<16384xf32, #tpu.memory_space<hbm>>) dst(%arg10 : memref<16384xf32, #tpu.memory_space<vmem>>)
      tpu.yield
    }) : () -> ()
    %get3A_4 = arith.constant 0 : index
    %get3A_5 = tpu.vector_load %arg11[%get3A_4] {strides = array<i32>} : memref<16xi32, #tpu.memory_space<vmem>>, vector<16xi32>,
    %slice3A_6 = vector.extract_strided_slice %get3A_5 {offsets = [0], sizes = [1], strides = [1]} : vector<16xi32> to vector<1xi32>
    %squeeze3A_7 = vector.extract %slice3A_6[0] : i32 from vector<1xi32>
    %iota3A = tpu.iota {dimensions = array<i32: 0>} : vector<16xi32>
    %add3A_8 = arith.constant 15 : i32
    %add3A_9 = arith.addi %squeeze3A_7, %add3A_8 : i32
    %jit3A = arith.constant 16 : i32
    %div3A = arith.divsi %add3A_9, %jit3A : i32
    %sign3A = arith.constant 0 : i32
    %sign3A_10 = arith.cmpi sgt, %add3A_9, %sign3A : i32
    %sign3A_11 = arith.extui %sign3A_10 : i1 to i32
    %sign3A_12 = arith.constant 0 : i32
    %sign3A_13 = arith.cmpi slt, %add3A_9, %sign3A_12 : i32
    %sign3A_14 = arith.extui %sign3A_13 : i1 to i32
    %sign3A_15 = arith.subi %sign3A_11, %sign3A_14 : i32
    %sign3A_16 = arith.constant 0 : i32
    %sign3A_17 = arith.cmpi sgt, %jit3A, %sign3A_16 : i32
    %sign3A_18 = arith.extui %sign3A_17 : i1 to i32
    %sign3A_19 = arith.constant 0 : i32
    %sign3A_20 = arith.cmpi slt, %jit3A, %sign3A_19 : i32
    %sign3A_21 = arith.extui %sign3A_20 : i1 to i32
    %sign3A_22 = arith.subi %sign3A_18, %sign3A_21 : i32
    %ne3A = arith.cmpi ne, %sign3A_15, %sign3A_22 : i32
    %rem3A = arith.remsi %add3A_9, %jit3A : i32
    %ne3A_23 = arith.constant 0 : i32
    %ne3A_24 = arith.cmpi ne, %rem3A, %ne3A_23 : i32
    %and3A = arith.andi %ne3A, %ne3A_24 : i1
    %sub3A = arith.constant 1 : i32
    %sub3A_25 = arith.subi %div3A, %sub3A : i32
    %select_n3A = arith.select %and3A, %sub3A_25, %div3A : i32
    %sub3A_26 = arith.constant 0 : i32
    %sub3A_27 = arith.subi %select_n3A, %sub3A_26 : i32
    %sub3A_28 = arith.constant 1 : i32
    %sub3A_29 = arith.constant 1 : i32
    %sub3A_30 = arith.subi %sub3A_28, %sub3A_29 : i32
    %add3A_31 = arith.addi %sub3A_27, %sub3A_30 : i32
    %div3A_32 = arith.constant 1 : i32
    %div3A_33 = arith.divsi %add3A_31, %div3A_32 : i32
    %while3A = arith.constant 1 : i32
    %while3A_34 = arith.constant 0 : i32
    %while3A_35 = arith.constant 0 : i32
    %while3A_36 = arith.subi %div3A_33, %while3A_35 : i32
    %while3A_37 = arith.addi %while3A_35, %while3A_36 : i32
    %while3A_38 = arith.constant 1 : i32
    %while3A_39 = arith.divsi %while3A_36, %while3A_38 : i32
    %while3A_40 = arith.muli %while3A_39, %while3A_38 : i32
    %while3A_41 = arith.addi %while3A_35, %while3A_40 : i32
    %while3A_42 = arith.constant 1 : i32
    scf.for %while3A_44 = %while3A_35 to %while3A_41 step %while3A_42  : i32 {
      %mul3A_45 = arith.muli %while3A_44, %while3A : i32
      %add3A_46 = arith.addi %while3A_34, %mul3A_45 : i32
      %mul3A_47 = arith.constant 16 : i32
      %mul3A_48 = arith.muli %add3A_46, %mul3A_47 : i32
      %get3A_49 = arith.index_cast %mul3A_48 : i32 to index
      %get3A_50 = tpu.vector_load %arg8[%get3A_49] {strides = array<i32>} : memref<16384xi32, #tpu.memory_space<vmem>>, vector<16xi32>,
      %sub3A_51 = vector.broadcast %mul3A_2 : i32 to vector<16xi32>
      %sub3A_52 = arith.subi %get3A_50, %sub3A_51 : vector<16xi32>
      %get3A_53 = arith.index_cast %mul3A_48 : i32 to index
      %get3A_54 = tpu.vector_load %arg9[%get3A_53] {strides = array<i32>} : memref<16384xf32, #tpu.memory_space<vmem>>, vector<16xf32>,
      %add3A_55 = vector.broadcast %mul3A_48 : i32 to vector<16xi32>
      %add3A_56 = arith.addi %add3A_55, %iota3A : vector<16xi32>
      %lt3A = vector.broadcast %squeeze3A_7 : i32 to vector<16xi32>
      %lt3A_57 = arith.cmpi slt, %add3A_56, %lt3A : vector<16xi32>
      tpu.vector_store_idx %arg10[%sub3A_52], %get3A_54 masked %lt3A_57 : memref<16384xf32, #tpu.memory_space<vmem>>[vector<16xi32>], vector<16xf32>, vector<16xi1>
    }
    %while3A_43 = arith.constant 1 : i32
    scf.for %while3A_44 = %while3A_41 to %while3A_37 step %while3A_43  : i32 {
      %mul3A_45 = arith.muli %while3A_44, %while3A : i32
      %add3A_46 = arith.addi %while3A_34, %mul3A_45 : i32
      %mul3A_47 = arith.constant 16 : i32
      %mul3A_48 = arith.muli %add3A_46, %mul3A_47 : i32
      %get3A_49 = arith.index_cast %mul3A_48 : i32 to index
      %get3A_50 = tpu.vector_load %arg8[%get3A_49] {strides = array<i32>} : memref<16384xi32, #tpu.memory_space<vmem>>, vector<16xi32>,
      %sub3A_51 = vector.broadcast %mul3A_2 : i32 to vector<16xi32>
      %sub3A_52 = arith.subi %get3A_50, %sub3A_51 : vector<16xi32>
      %get3A_53 = arith.index_cast %mul3A_48 : i32 to index
      %get3A_54 = tpu.vector_load %arg9[%get3A_53] {strides = array<i32>} : memref<16384xf32, #tpu.memory_space<vmem>>, vector<16xf32>,
      %add3A_55 = vector.broadcast %mul3A_48 : i32 to vector<16xi32>
      %add3A_56 = arith.addi %add3A_55, %iota3A : vector<16xi32>
      %lt3A = vector.broadcast %squeeze3A_7 : i32 to vector<16xi32>
      %lt3A_57 = arith.cmpi slt, %add3A_56, %lt3A : vector<16xi32>
      tpu.vector_store_idx %arg10[%sub3A_52], %get3A_54 masked %lt3A_57 : memref<16384xf32, #tpu.memory_space<vmem>>[vector<16xi32>], vector<16xf32>, vector<16xi1>
    }
    "tpu.region"() ({
      %run_scoped3A = tpu.sem_alloc : memref<!tpu.dma_semaphore, #tpu.memory_space<semaphore_mem>>
      %dma_start3A = tpu.memref_slice %arg7[%mul3A_2] : memref<524288xf32, #tpu.memory_space<hbm>> -> memref<16384xf32, #tpu.memory_space<hbm>>
      %dma_start3A_44 = tpu.memref_slice %arg7[%mul3A_2] : memref<524288xf32, #tpu.memory_space<hbm>> -> memref<16384xf32, #tpu.memory_space<hbm>>
      tpu.enqueue_dma source(%arg10 : memref<16384xf32, #tpu.memory_space<vmem>>) target(%dma_start3A_44 : memref<16384xf32, #tpu.memory_space<hbm>>) target_semaphore(%run_scoped3A : memref<!tpu.dma_semaphore, #tpu.memory_space<semaphore_mem>>)
      %dma_wait3A = tpu.memref_slice %arg7[%mul3A_2] : memref<524288xf32, #tpu.memory_space<hbm>> -> memref<16384xf32, #tpu.memory_space<hbm>>
      %dma_wait3A_45 = tpu.memref_slice %arg7[%mul3A_2] : memref<524288xf32, #tpu.memory_space<hbm>> -> memref<16384xf32, #tpu.memory_space<hbm>>
      tpu.wait_dma2 semaphore(%run_scoped3A : memref<!tpu.dma_semaphore, #tpu.memory_space<semaphore_mem>>) src(%arg10 : memref<16384xf32, #tpu.memory_space<vmem>>) dst(%dma_wait3A_45 : memref<16384xf32, #tpu.memory_space<hbm>>)
      tpu.yield
    }) : () -> ()
    return
  }
}

module attributes {stable_mosaic.version = 14 : i64} {
  func.func @_copy_body(%arg0: i32, %arg1: memref<8192x128xf32, #tpu.memory_space<vmem>>, %arg2: memref<8192x128xf32, #tpu.memory_space<vmem>>) attributes {dimension_semantics = [#tpu.dimension_semantics<arbitrary>], iteration_bounds = array<i64: 64>, scalar_prefetch = 0 : i64, scratch_operands = 0 : i64, tpu.core_type = #tpu.core_type<tc>, window_params = [{transform_indices = @transform_0, window_bounds = array<i64: 8192, 128>}, {transform_indices = @transform_1, window_bounds = array<i64: 8192, 128>}]} {
    %get3A = arith.constant 0 : index
    %get3A_0 = arith.constant 0 : index
    %get3A_1 = vector.load %arg1[%get3A, %get3A_0] : memref<8192x128xf32, #tpu.memory_space<vmem>>, vector<8192x128xf32>
    %swap3A = arith.constant 0 : index
    %swap3A_2 = arith.constant 0 : index
    %swap3A_3 = vector.load %arg2[%swap3A, %swap3A_2] : memref<8192x128xf32, #tpu.memory_space<vmem>>, vector<8192x128xf32>
    tpu.vector_store %arg2[%swap3A, %swap3A_2], %get3A_1 {strides = array<i32>} : memref<8192x128xf32, #tpu.memory_space<vmem>>, vector<8192x128xf32>,
    return
  }
  func.func @transform_0(%arg0: i32) -> (i32, i32) {
    %c0_i32 = arith.constant 0 : i32
    %c0_i32_0 = arith.constant 0 : i32
    return %arg0, %c0_i32 : i32, i32
  }
  func.func @transform_1(%arg0: i32) -> (i32, i32) {
    %c0_i32 = arith.constant 0 : i32
    %c0_i32_0 = arith.constant 0 : i32
    return %arg0, %c0_i32 : i32, i32
  }
}

module attributes {stable_mosaic.version = 14 : i64} {
  func.func @_mlp_body(%arg0: i32, %arg1: i32, %arg2: memref<2x16xi32, #tpu.memory_space<smem>>, %arg3: memref<2048x128xf32, #tpu.memory_space<vmem>>, %arg4: memref<131x21xf32, #tpu.memory_space<vmem>>, %arg5: memref<524288x128xf32, #tpu.memory_space<any>>, %arg6: memref<1x1x2048xf32, #tpu.memory_space<vmem>>) attributes {dimension_semantics = [#tpu.dimension_semantics<arbitrary>, #tpu.dimension_semantics<arbitrary>], iteration_bounds = array<i64: 2, -9223372036854775808>, scalar_prefetch = 1 : i64, scratch_operands = 0 : i64, tpu.core_type = #tpu.core_type<tc>, window_params = [{transform_indices = @transform_0, window_bounds = array<i64: 2048, 128>}, {pipeline_mode = #tpu.pipeline_mode<synchronous>, transform_indices = @transform_1, window_bounds = array<i64: 131, 21>}, {}, {transform_indices = @transform_3, window_bounds = array<i64: 1, 1, 2048>}]} {
    %mul3A = arith.constant 2048 : i32
    %mul3A_0 = arith.muli %arg1, %mul3A : i32
    %get3A = arith.index_cast %arg0 : i32 to index
    %get3A_1 = arith.constant 0 : index
    %get3A_2 = memref.load %arg2[%get3A, %get3A_1] : memref<2x16xi32, #tpu.memory_space<smem>>
    %lt3A = arith.cmpi slt, %mul3A_0, %get3A_2 : i32
    %convert_element_type3A = arith.extui %lt3A : i1 to i32
    %cond3A = arith.constant 0 : i32
    %cond3A_3 = arith.cmpi ne, %convert_element_type3A, %cond3A : i32
    scf.if %cond3A_3 {
      %get3A_4 = arith.constant 0 : index
      %get3A_5 = arith.constant 0 : index
      %get3A_6 = vector.load %arg3[%get3A_4, %get3A_5] : memref<2048x128xf32, #tpu.memory_space<vmem>>, vector<2048x128xf32>
      %get3A_7 = arith.constant 0 : index
      %get3A_8 = arith.constant 0 : index
      %get3A_9 = vector.load %arg4[%get3A_7, %get3A_8] : memref<131x21xf32, #tpu.memory_space<vmem>>, vector<128x21xf32>
      %dot_general3A = arith.constant dense<0.000000e+00> : vector<21x2048xf32>
      %dot_general3A_10 = tpu.matmul %get3A_9, %get3A_6, %dot_general3A {dimension_numbers = #tpu.dot_dimension_numbers<[0], [1], [1], [0], [0, 1, 1, 0], [], []>, transpose_lhs_hint = false} : vector<128x21xf32>, vector<2048x128xf32>, vector<21x2048xf32> -> vector<21x2048xf32>
      %get3A_11 = arith.constant 128 : index
      %get3A_12 = arith.constant 0 : index
      %get3A_13 = vector.load %arg4[%get3A_11, %get3A_12] : memref<131x21xf32, #tpu.memory_space<vmem>>, vector<1x21xf32>
      %reshape3A = vector.shape_cast %get3A_13 : vector<1x21xf32> to vector<21x1xf32>
      %add3A = vector.broadcast %reshape3A : vector<21x1xf32> to vector<21x2048xf32>
      %add3A_14 = arith.addf %dot_general3A_10, %add3A : vector<21x2048xf32>
      %mul3A_15 = arith.constant 0.707106769 : f32
      %mul3A_16 = vector.broadcast %mul3A_15 : f32 to vector<21x2048xf32>
      %mul3A_17 = arith.mulf %add3A_14, %mul3A_16 : vector<21x2048xf32>
      %erf3A = math.erf %mul3A_17 : vector<21x2048xf32>
      %get3A_18 = arith.constant 129 : index
      %get3A_19 = arith.constant 0 : index
      %get3A_20 = vector.load %arg4[%get3A_18, %get3A_19] : memref<131x21xf32, #tpu.memory_space<vmem>>, vector<1x21xf32>
      %reshape3A_21 = vector.shape_cast %get3A_20 : vector<1x21xf32> to vector<21x1xf32>
      %get3A_22 = arith.constant 130 : index
      %get3A_23 = arith.constant 0 : index
      %get3A_24 = vector.load %arg4[%get3A_22, %get3A_23] : memref<131x21xf32, #tpu.memory_space<vmem>>, vector<1x1xf32>
      %get3A_25 = vector.extract %get3A_24[0, 0] : f32 from vector<1x1xf32>
      %mul3A_26 = arith.mulf %add3A_14, %erf3A : vector<21x2048xf32>
      %add3A_27 = arith.addf %add3A_14, %mul3A_26 : vector<21x2048xf32>
      %mul3A_28 = vector.broadcast %reshape3A_21 : vector<21x1xf32> to vector<21x2048xf32>
      %mul3A_29 = arith.mulf %add3A_27, %mul3A_28 : vector<21x2048xf32>
      %reduce_sum3A = arith.constant dense<0.000000e+00> : vector<2048xf32>
      %reduce_sum3A_30 = vector.multi_reduction <add>, %mul3A_29, %reduce_sum3A [0] : vector<21x2048xf32> to vector<2048xf32>
      %broadcast_in_dim3A = vector.shape_cast %reduce_sum3A_30 : vector<2048xf32> to vector<1x2048xf32>
      %add3A_31 = vector.broadcast %get3A_25 : f32 to vector<1x2048xf32>
      %add3A_32 = arith.addf %broadcast_in_dim3A, %add3A_31 : vector<1x2048xf32>
      %swap3A = arith.constant 0 : index
      %swap3A_33 = arith.constant 0 : index
      %swap3A_34 = arith.constant 0 : index
      %swap3A_35 = vector.load %arg6[%swap3A, %swap3A_33, %swap3A_34] : memref<1x1x2048xf32, #tpu.memory_space<vmem>>, vector<1x1x2048xf32>
      %swap3A_36 = vector.shape_cast %swap3A_35 : vector<1x1x2048xf32> to vector<1x2048xf32>
      %swap3A_37 = vector.shape_cast %add3A_32 : vector<1x2048xf32> to vector<1x1x2048xf32>
      tpu.vector_store %arg6[%swap3A, %swap3A_33, %swap3A_34], %swap3A_37 {strides = array<i32>} : memref<1x1x2048xf32, #tpu.memory_space<vmem>>, vector<1x1x2048xf32>,
    } else {
    }
    return
  }
  func.func @transform_0(%arg0: i32, %arg1: i32, %arg2: memref<2x16xi32, #tpu.memory_space<smem>>) -> (i32, i32) {
    %get3A = arith.index_cast %arg0 : i32 to index
    %get3A_0 = arith.constant 0 : index
    %get3A_1 = memref.load %arg2[%get3A, %get3A_0] : memref<2x16xi32, #tpu.memory_space<smem>>
    %add3A = arith.constant 2047 : i32
    %add3A_2 = arith.addi %get3A_1, %add3A : i32
    %jit3A = arith.constant 2048 : i32
    %div3A = arith.divsi %add3A_2, %jit3A : i32
    %sign3A = arith.constant 0 : i32
    %sign3A_3 = arith.cmpi sgt, %add3A_2, %sign3A : i32
    %sign3A_4 = arith.extui %sign3A_3 : i1 to i32
    %sign3A_5 = arith.constant 0 : i32
    %sign3A_6 = arith.cmpi slt, %add3A_2, %sign3A_5 : i32
    %sign3A_7 = arith.extui %sign3A_6 : i1 to i32
    %sign3A_8 = arith.subi %sign3A_4, %sign3A_7 : i32
    %sign3A_9 = arith.constant 0 : i32
    %sign3A_10 = arith.cmpi sgt, %jit3A, %sign3A_9 : i32
    %sign3A_11 = arith.extui %sign3A_10 : i1 to i32
    %sign3A_12 = arith.constant 0 : i32
    %sign3A_13 = arith.cmpi slt, %jit3A, %sign3A_12 : i32
    %sign3A_14 = arith.extui %sign3A_13 : i1 to i32
    %sign3A_15 = arith.subi %sign3A_11, %sign3A_14 : i32
    %ne3A = arith.cmpi ne, %sign3A_8, %sign3A_15 : i32
    %rem3A = arith.remsi %add3A_2, %jit3A : i32
    %ne3A_16 = arith.constant 0 : i32
    %ne3A_17 = arith.cmpi ne, %rem3A, %ne3A_16 : i32
    %and3A = arith.andi %ne3A, %ne3A_17 : i1
    %sub3A = arith.constant 1 : i32
    %sub3A_18 = arith.subi %div3A, %sub3A : i32
    %select_n3A = arith.select %and3A, %sub3A_18, %div3A : i32
    %sub3A_19 = arith.constant 1 : i32
    %sub3A_20 = arith.subi %select_n3A, %sub3A_19 : i32
    %max3A = arith.constant 0 : i32
    %max3A_21 = arith.maxsi %sub3A_20, %max3A : i32
    %min3A = arith.minsi %arg1, %max3A_21 : i32
    %mul3A = arith.constant 128 : i32
    %mul3A_22 = arith.muli %arg0, %mul3A : i32
    %add3A_23 = arith.addi %mul3A_22, %min3A : i32
    %c0_i32 = arith.constant 0 : i32
    %c0_i32_24 = arith.constant 0 : i32
    return %add3A_23, %c0_i32 : i32, i32
  }
  func.func @transform_1(%arg0: i32, %arg1: i32, %arg2: memref<2x16xi32, #tpu.memory_space<smem>>) -> (i32, i32) {
    %c0_i32 = arith.constant 0 : i32
    %c0_i32_0 = arith.constant 0 : i32
    %c0_i32_1 = arith.constant 0 : i32
    return %c0_i32, %c0_i32_0 : i32, i32
  }
  func.func @transform_3(%arg0: i32, %arg1: i32, %arg2: memref<2x16xi32, #tpu.memory_space<smem>>) -> (i32, i32, i32) {
    %get3A = arith.index_cast %arg0 : i32 to index
    %get3A_0 = arith.constant 0 : index
    %get3A_1 = memref.load %arg2[%get3A, %get3A_0] : memref<2x16xi32, #tpu.memory_space<smem>>
    %add3A = arith.constant 2047 : i32
    %add3A_2 = arith.addi %get3A_1, %add3A : i32
    %jit3A = arith.constant 2048 : i32
    %div3A = arith.divsi %add3A_2, %jit3A : i32
    %sign3A = arith.constant 0 : i32
    %sign3A_3 = arith.cmpi sgt, %add3A_2, %sign3A : i32
    %sign3A_4 = arith.extui %sign3A_3 : i1 to i32
    %sign3A_5 = arith.constant 0 : i32
    %sign3A_6 = arith.cmpi slt, %add3A_2, %sign3A_5 : i32
    %sign3A_7 = arith.extui %sign3A_6 : i1 to i32
    %sign3A_8 = arith.subi %sign3A_4, %sign3A_7 : i32
    %sign3A_9 = arith.constant 0 : i32
    %sign3A_10 = arith.cmpi sgt, %jit3A, %sign3A_9 : i32
    %sign3A_11 = arith.extui %sign3A_10 : i1 to i32
    %sign3A_12 = arith.constant 0 : i32
    %sign3A_13 = arith.cmpi slt, %jit3A, %sign3A_12 : i32
    %sign3A_14 = arith.extui %sign3A_13 : i1 to i32
    %sign3A_15 = arith.subi %sign3A_11, %sign3A_14 : i32
    %ne3A = arith.cmpi ne, %sign3A_8, %sign3A_15 : i32
    %rem3A = arith.remsi %add3A_2, %jit3A : i32
    %ne3A_16 = arith.constant 0 : i32
    %ne3A_17 = arith.cmpi ne, %rem3A, %ne3A_16 : i32
    %and3A = arith.andi %ne3A, %ne3A_17 : i1
    %sub3A = arith.constant 1 : i32
    %sub3A_18 = arith.subi %div3A, %sub3A : i32
    %select_n3A = arith.select %and3A, %sub3A_18, %div3A : i32
    %sub3A_19 = arith.constant 1 : i32
    %sub3A_20 = arith.subi %select_n3A, %sub3A_19 : i32
    %max3A = arith.constant 0 : i32
    %max3A_21 = arith.maxsi %sub3A_20, %max3A : i32
    %min3A = arith.minsi %arg1, %max3A_21 : i32
    %mul3A = arith.constant 128 : i32
    %mul3A_22 = arith.muli %arg0, %mul3A : i32
    %add3A_23 = arith.addi %mul3A_22, %min3A : i32
    %c0_i32 = arith.constant 0 : i32
    %c0_i32_24 = arith.constant 0 : i32
    %c0_i32_25 = arith.constant 0 : i32
    return %add3A_23, %c0_i32, %c0_i32_24 : i32, i32, i32
  }
}

</mosaic_0001>

<sc_bundles>
// kernel: kernel.6.cloned.1.call-start
scs
__scs_entry_jumppad:
0x0: {  	(pc) =	sbr.rel $0x88, $3  }
0x1: {  	(tag) =	ssettag $0x0;
	lr =	simm.s32 $0x1  }
0x2: {  	[smem:$0x3F9A] =	sst lr;
	_ =	strace $0xD0000000  }
0x3: {  	_ = 	snop  }
0x4: {  	_ = 	snop  }
0x5: {  	_ = 	snop  }
0x6: {  	_ = 	snop  }
0x7: {  	_ = 	snop  }
__scs_overlays_trampoline_lowered:
0x8: {  	[smem:$0x3FA9] =	sst s0  }
0x9: {  	[smem:$0x3FAA] =	sst s1  }
0xa: {  	[smem:$0x3FAB] =	sst s2  }
0xb: {  	[smem:$0x3FAC] =	sst s3  }
0xc: {  	[smem:$0x3FAD] =	sst s4  }
0xd: {  	[smem:$0x3FAE] =	sst s5  }
0xe: {  	[smem:$0x3FAF] =	sst s6  }
0xf: {  	[smem:$0x3FB0] =	sst s7  }
0x10: {  	[smem:$0x3FB1] =	sst s8  }
0x11: {  	[smem:$0x3FB2] =	sst s9;
	s0 =	simm.s32 @!p0 $0x0  }
0x12: {  	s1 =	sld [smem:$0x3F98];
	s0 =	simm.s32 @p0 $0x1  }
0x13: {  	[smem:$0x3FB3] =	sst s0;
	s0 =	simm.s32 @!p1 $0x0  }
0x14: {  	s2 =	sld [smem:$0x3F97];
	s0 =	simm.s32 @p1 $0x1  }
0x15: {  	[smem:$0x3FB4] =	sst s0;
	s0 =	simm.s32 @!p2 $0x0  }
0x16: {  	s3 =	sld [smem:$0x3FDB];
	s0 =	simm.s32 @p2 $0x1  }
0x17: {  	s4 =	simm.s32 $0x1BF5;
	[smem:$0x3FB6] =	sst s0  }
0x18: {  	s0 =	sld [smem:$0x3F99];
	_ =	swait.ge [sflag:s4], $0x0  }
0x19: {  	s7 =	sld [smem:$0x3F9A]  }
0x1a: {  	s8 =	sadd.s32 $0xFFFFE003, lr  }
0x1b: {  	s9 =	sadd.s32 $0xFFFFFEF7, lr;
	s5 =	simm.s32 $0xFFFFFFFF;
	p2 =	slt.u32 s8, $0xFFFFF086  }
0x1c: {  	p1 =	slt.u32 s9, $0xF7A;
	s5 =	simm.s32 @!p2 $0x0  }
0x1d: {  	s5 =	simm.s32 @p1 $0x1;
	p0 =	seq.s32 s7, s2  }
0x1e: {  	s7 =	smul.u32 @!p0 $0xF7A, s2;
	p2 =	seq.s32 @!p0 s5, $0x0  }
0x1f: {  	s9 =	smul.u32 $0xF7A, s1;
	s8 =	simm.s32 @!p0 $0x1BF5;
	p2 =	por !p2, p0  }
0x20: {  	[sflag:s8] =	ssyncset.s32 @!p0 $0xFFFFF086;
	s6 =	sadd.s32 @!p0 s3, s7;
	s7 =	simm.s32 @!p0 $0x108  }
0x21: {  	s3 =	sadd.s32 s3, s9;
	s6 =	sadd.s32 @!p0 $0x88, s6;
	s7 =	simm.s32 @p2 $0x1082  }
0x22: {  	[simem:s7], [sflag:s8] =	dma.local @!p0 [hbm:s6], $0xF7A  }
0x23: {  	s9 =	sor.u32 $0xD0000000, s2;
	s6 =	simm.s32 $0x108;
	_ =	swait.ge @!p0 [sflag:s8], $0x0  }
0x24: {  	s3 =	sadd.s32 $0x88, s3;
	s6 =	simm.s32 @!p1 $0x1082;
	[sflag:s4] =	ssyncset.s32 $0xFFFFF086  }
0x25: {  	[simem:s6], [sflag:s4] =	dma.local [hbm:s3], $0xF7A  }
0x26: {  	[smem:$0x3F9A] =	sst s1;
	(tag) =	ssettag s2;
	_ =	strace s9  }
0x27: {  	s1 =	sld [smem:$0x3FAA]  }
0x28: {  	s2 =	sld [smem:$0x3FAB]  }
0x29: {  	s4 =	sld [smem:$0x3FAD]  }
0x2a: {  	p0 =	seq.s32 s5, $0x0;
	s5 =	sld [smem:$0x3FAE]  }
0x2b: {  	s6 =	sld [smem:$0x3FAF]  }
0x2c: {  	s7 =	sld [smem:$0x3FB0]  }
0x2d: {  	s3 =	simm.s32 $0x108;
	s8 =	sld [smem:$0x3FB1]  }
0x2e: {  	s3 =	simm.s32 @!p0 $0x1082;
	s9 =	sld [smem:$0x3FB2]  }
0x2f: {  	lr =	sadd.s32 s0, s3;
	s0 =	sld [smem:$0x3FA9]  }
0x30: {  	s3 =	sld [smem:$0x3FAC]  }
0x31: {  	[smem:$0x3FB5] =	sst s10  }
0x32: {  	s10 =	sld [smem:$0x3FB3];
	_ =	sdelay $0x3  }
0x33: {  	p0 =	seq.s32 s10, $0x1;
	s10 =	sld [smem:$0x3FB5];
	_ =	sdelay $0x3  }
0x34: {  	[smem:$0x3FB5] =	sst s10  }
0x35: {  	s10 =	sld [smem:$0x3FB4];
	_ =	sdelay $0x3  }
0x36: {  	p1 =	seq.s32 s10, $0x1;
	s10 =	sld [smem:$0x3FB5];
	_ =	sdelay $0x3  }
0x37: {  	[smem:$0x3FB5] =	sst s10  }
0x38: {  	s10 =	sld [smem:$0x3FB6]  }
0x39: {  	_ = 	snop;
	(pc) =	sbr.ind lr, $3  }
0x3a: {  	_ = 	snop  }
0x3b: {  	_ = 	snop  }
0x3c: {  	p2 =	seq.s32 s10, $0x1;
	s10 =	sld [smem:$0x3FB5]  }
0x3d: {  	_ =	shalt  }
0x3e: {  	_ =	shalt  }
0x3f: {  	_ =	shalt  }
0x40: {  	_ =	shalt  }
0x41: {  	_ =	shalt  }
0x42: {  	_ =	shalt  }
0x43: {  	_ =	shalt  }
0x44: {  	_ =	shalt  }
0x45: {  	_ =	shalt  }
0x46: {  	_ =	shalt  }
0x47: {  	_ =	shalt  }
0x48: {  	_ =	shalt  }
0x49: {  	_ =	shalt  }
0x4a: {  	_ =	shalt  }
0x4b: {  	_ =	shalt  }
0x4c: {  	_ =	shalt  }
0x4d: {  	_ =	shalt  }
0x4e: {  	_ =	shalt  }
0x4f: {  	_ =	shalt  }
0x50: {  	_ =	shalt  }
0x51: {  	_ =	shalt  }
0x52: {  	_ =	shalt  }
0x53: {  	_ =	shalt  }
0x54: {  	_ =	shalt  }
0x55: {  	_ =	shalt  }
0x56: {  	_ =	shalt  }
0x57: {  	_ =	shalt  }
0x58: {  	_ =	shalt  }
0x59: {  	_ =	shalt  }
0x5a: {  	_ =	shalt  }
0x5b: {  	_ =	shalt  }
0x5c: {  	_ =	shalt  }
0x5d: {  	_ =	shalt  }
0x5e: {  	_ =	shalt  }
0x5f: {  	_ =	shalt  }
0x60: {  	_ =	shalt  }
0x61: {  	_ =	shalt  }
0x62: {  	_ =	shalt  }
0x63: {  	_ =	shalt  }
0x64: {  	_ =	shalt  }
0x65: {  	_ =	shalt  }
0x66: {  	_ =	shalt  }
0x67: {  	_ =	shalt  }
0x68: {  	_ =	shalt  }
0x69: {  	_ =	shalt  }
0x6a: {  	_ =	shalt  }
0x6b: {  	_ =	shalt  }
0x6c: {  	_ =	shalt  }
0x6d: {  	_ =	shalt  }
0x6e: {  	_ =	shalt  }
0x6f: {  	_ =	shalt  }
0x70: {  	_ =	shalt  }
0x71: {  	_ =	shalt  }
0x72: {  	_ =	shalt  }
0x73: {  	_ =	shalt  }
0x74: {  	_ =	shalt  }
0x75: {  	_ =	shalt  }
0x76: {  	_ =	shalt  }
0x77: {  	_ =	shalt  }
0x78: {  	_ =	shalt  }
0x79: {  	_ =	shalt  }
0x7a: {  	_ =	shalt  }
0x7b: {  	_ =	shalt  }
0x7c: {  	_ =	shalt  }
0x7d: {  	_ =	shalt  }
0x7e: {  	_ =	shalt  }
0x7f: {  	_ =	shalt  }
0x80: {  	_ =	shalt  }
0x81: {  	_ =	shalt  }
0x82: {  	_ =	shalt  }
0x83: {  	_ =	shalt  }
0x84: {  	_ =	shalt  }
0x85: {  	_ =	shalt  }
0x86: {  	_ =	shalt  }
0x87: {  	_ =	shalt  }
.Lfunc_end0:
.L_simem_size_0:
called_computation_lowered:
.L_overlay_start_0:
0x88: {  	s2 =	sld [smem:$0x3FD9]  }
0x89: {  	s3 =	sld [smem:$0x3FFE];
	_ =	sdelay $0x1  }
0x8a: {  	s1 =	srdreg.scid  }
0x8b: {  	s0 =	sand.u32 $0x1, s1  }
0x8c: {  	s14 =	sshll.u32 s0, $0xA;
	s2 =	sadd.s32 s3, s2  }
0x8d: {  	s2 =	sadd.s32 s2, s14  }
0x8e: {  	[smem:$0x3FC1] =	sst s2  }
0x8f: {  	_ = 	snop  }
0x90: {  	s2 =	sld [smem:$0x3FD0];
	_ =	sdelay $0x1  }
0x91: {  	s15 =	sld [smem:$0x3FC9]  }
0x92: {  	s5 =	simm.s32 $0xA;
	s6 =	simm.s32 $0x10;
	s4 =	sld [smem:$0x3FC8]  }
0x93: {  	[smem:s6], [sflag:s5] =	dma.local [hbm:s2], $0x1  }
0x94: {  	_ =	swait.eq [sflag:s5], $0x1  }
0x95: {  	[sflag:s5] =	ssyncset.done $0x0  }
0x96: {  	s16 =	sld [smem:$0x11];
	[sflag:s5] =	ssyncadd.s32 $0xFFFFFFFF  }
0x97: {  	s17 =	sld [smem:$0x12];
	(tm) =	ssettm $0x1  }
0x98: {  	s18 =	sld [smem:$0x3FFB];
	_ =	sdelay $0x3  }
0x99: {  	_ =	strace s18  }
0x9a: {  	s6 =	sld [smem:$0x3FFC];
	_ =	sdelay $0x3  }
0x9b: {  	_ =	strace s6  }
0x9c: {  	s6 =	sld [smem:$0x3FFD];
	_ =	sdelay $0x3  }
0x9d: {  	_ =	strace s6  }
0x9e: {  	_ =	strace $0x8FFFFFFF  }
0x9f: {  	s19 =	sld [smem:$0x3FDB];
	_ =	sdelay $0x1  }
0xa0: {  	s7 =	simm.s32 $_scs_section_size  }
0xa1: {  	s8 =	simm.s32 $_size__tile_overlayer_lowered;
	s9 =	simm.s32 $_tile_overlayer_lowered  }
0xa2: {  	s22 =	simm.s32 $0x1BFF;
	s21 =	sshll.u32 s9, $0x1;
	s6 =	sadd.s32 s7, s19  }
0xa3: {  	s10 =	simm.s32 $0x0;
	s20 =	sshll.u32 s8, $0x1;
	s8 =	sadd.s32 s21, s6  }
0xa4: {  	[timem:s10], [sflag:s22] =	dma.local [hbm:s8], s20  }
0xa5: {  	_ =	swait.ge [sflag:s22], s20  }
0xa6: {  	s7 =	ssub.s32 $0x0, s20;
	[sflag:s22] =	ssyncset.done $0x0  }
0xa7: {  	[sflag:s22] =	ssyncadd.s32 s7;
	_ =	sdelay $0x1  }
0xa8: {  	s23 =	simm.s32 $0x1B8B  }
0xa9: {  	_ =	swait.ge [sflag:s23], $0x1  }
0xaa: {  	[sflag:s23] =	ssyncset.done $0x0  }
0xab: {  	s25 =	simm.s32 $0x1B8E;
	s24 =	sld [smem:$0x3FFE];
	[sflag:s23] =	ssyncadd.s32 $0xFFFFFFFF  }
0xac: {  	s26 =	simm.s32 $execute0_lowered;
	[smem:$0x3FD2] =	sst s25  }
0xad: {  	s8 =	sshll.u32 s26, $0x1;
	_ =	strace $0x80000046;
	[dreg:$0x1] =	wrdreg $0xFFFFFFFF  }
0xae: {  	s28 =	simm.s32 $_size_execute0_lowered;
	s6 =	sadd.s32 s6, s8;
	[dreg:$0x0] =	wrdreg $0x0  }
0xaf: {  	s8 =	sshll.u32 s28, $0x1;
	[dreg:$0x2] =	wrdreg s6  }
0xb0: {  	[dreg:$0x3] =	wrdreg s8  }
0xb1: {  	[dreg:$0x4] =	wrdreg $0xC0  }
0xb2: {  	_ =	task [dreg:s10], $0x5FFFF  }
0xb3: {  	[dreg:$0x1] =	wrdreg $0xFFFFFFFF  }
0xb4: {  	[dreg:$0x0] =	wrdreg $0x60  }
0xb5: {  	[dreg:$0x2] =	wrdreg s4  }
0xb6: {  	[dreg:$0x3] =	wrdreg s15  }
0xb7: {  	[dreg:$0x4] =	wrdreg s24  }
0xb8: {  	[dreg:$0x5] =	wrdreg s16  }
0xb9: {  	[dreg:$0x6] =	wrdreg s17  }
0xba: {  	[dreg:$0x7] =	wrdreg $0x102000  }
0xbb: {  	[dreg:$0x8] =	wrdreg $0x9  }
0xbc: {  	_ =	task.clear_ibuf [dreg:s10], $0x9FFFF;
	_ =	strace $0x90000046  }
0xbd: {  	s29 =	simm.s32 $0x9;
	_ =	strace $0x80000048  }
0xbe: {  	_ =	swait.ge [sflag:s29], $0x1  }
0xbf: {  	[sflag:s29] =	ssyncadd.s32 $0xFFFFFFFF  }
0xc0: {  	_ =	strace $0x90000048  }
0xc1: {  	_ =	sfence  }
0xc2: {  	s30 =	sld [smem:$0x0];
	_ =	sdelay $0x2  }
0xc3: {  	s31 =	sshll.u32 s1, $0xD;
	s1 =	sshrl.u32 s1, $0x2  }
0xc4: {  	s3 =	sand.u32 $0x4000, s31;
	s1 =	sadd.s32 s1, s30  }
0xc5: {  	s0 =	sor.u32 s3, s0;
	s1 =	sshll.u32 s1, $0x11  }
0xc6: {  	s0 =	sor.u32 s1, s0  }
0xc7: {  	s0 =	sadd.s32 $0x8F2B, s0  }
0xc8: {  	[sflag:s0] =	ssyncadd.remote.s32 $0x1  }
0xc9: {  	_ =	sfence.sel $0xFFFF  }
0xca: {  	[dreg:$0x0] =	wrdreg $0xFFFFFFFF;
	(pc) =	sbr.abs _section_cstart, $3  }
0xcb: {  	[dreg:$0x1] =	wrdreg $0xFFFFFFFF  }
0xcc: {  	_ =	task.clear_ibuf [dreg:s10], $0x2FFFF;
	_ =	strace $0x9FFFFFFF  }
0xcd: {  	(tm) =	ssettm $0x7FFFFFFF  }
tec
execute0_lowered:
.L_overlay_start_1:
0x0: {  	(tag) =	ssettag $0x1  }
0x1: {  	s5 =	rddreg [dreg:$0x0]  }
0x2: {  	s0 =	rddreg [dreg:$0x1]  }
0x3: {  	s6 =	rddreg [dreg:$0x2]  }
0x4: {  	s7 =	rddreg [dreg:$0x3]  }
0x5: {  	s11 =	rddreg [dreg:$0x4]  }
0x6: {  	s1 =	srdreg.scid;
	s25 =	stileid.u32  }
0x7: {  	s2 =	rddreg [dreg:$0x5];
	s12 =	sand.u32 $0x1, s1;
	s3 =	sshll.u32 s25, $0x1  }
0x8: {  	s9 =	sshrl.u32 s25, $0x2;
	s24 =	sshll.u32 s25, $0x4;
	s30 =	sshll.u32 s25, $0xF  }
0x9: {  	p0 =	seq.s32 s25, $0xF;
	p6 =	sgt.u32 s25, $0x2;
	p5 =	sne.s32 s25, $0x0  }
0xa: {  	p1 =	seq.s32 s25, $0x0;
	s8 =	sor.u32 s12, s3;
	s3 =	simm.s32 $0x0  }
0xb: {  	s10 =	sshll.u32 s9, $0xA;
	s14 =	ssub.s32 $0x2, s12;
	s21 =	sshll.u32 s9, $0x11  }
0xc: {  	s9 =	sshll.u32 s12, $0x12;
	s31 =	sshll.u32 s12, $0xE;
	s12 =	sshll.u32 s12, $0x4  }
0xd: {  	s1 =	simm.s32 @!p0 $0x0;
	s4 =	sshll.u32 s8, $0x7;
	[smem:$0x7FF] =	sst s3  }
0xe: {  	s15 =	sshrl.u32 s14, $0x1;
	s26 =	sshll.u32 s8, $0xE;
	s8 =	sshll.u32 s8, $0xB  }
0xf: {  	s11 =	sadd.s32 s11, s12;
	s1 =	simm.s32 @p0 $0x1;
	p0 =	sgt.u32 s25, $0xD  }
0x10: {  	_ =	strace $0x80000047;
	[smem:$0x7F2] =	sst s1;
	s1 =	simm.s32 @!p0 $0x0  }
0x11: {  	s13 =	sand.u32 $0x380, s4;
	s1 =	simm.s32 @p0 $0x1;
	p0 =	sgt.u32 s25, $0xC  }
0x12: {  	s4 =	sadd.s32 $0xE00, s6;
	[smem:$0x7F3] =	sst s1;
	s1 =	simm.s32 @!p0 $0x0  }
0x13: {  	s14 =	ssub.s32 s14, s15;
	s1 =	simm.s32 @p0 $0x1;
	p0 =	sgt.u32 s25, $0xB  }
0x14: {  	s22 =	sadd.s32 s5, s8;
	[smem:$0x7F4] =	sst s1;
	s1 =	simm.s32 @!p0 $0x0  }
0x15: {  	s8 =	sadd.s32 s24, s2;
	s1 =	simm.s32 @p0 $0x1;
	p0 =	sgt.u32 s25, $0xA  }
0x16: {  	s15 =	simm.s32 $0x10080;
	[smem:$0x7F5] =	sst s1;
	s1 =	simm.s32 @!p0 $0x0  }
0x17: {  	s24 =	simm.s32 $0x0;
	s1 =	simm.s32 @p0 $0x1;
	p0 =	sgt.u32 s25, $0x9  }
0x18: {  	s10 =	sor.u32 s10, s13;
	[smem:$0x7F6] =	sst s1;
	s1 =	simm.s32 @!p0 $0x0  }
0x19: {  	[dreg:$0x7] =	wrdreg s22;
	s1 =	simm.s32 @p0 $0x1;
	p0 =	sgt.u32 s25, $0x8  }
0x1a: {  	s12 =	smax.u32 s14, $0x1;
	[smem:$0x7F7] =	sst s1;
	s1 =	simm.s32 @!p0 $0x0  }
0x1b: {  	s14 =	simm.s32 $0x5;
	s1 =	simm.s32 @p0 $0x1;
	p0 =	sgt.u32 s25, $0x7  }
0x1c: {  	s10 =	sshrl.u32 s10, $0x3;
	[smem:$0x7F8] =	sst s1;
	s1 =	simm.s32 @!p0 $0x0  }
0x1d: {  	s10 =	sadd.s32 s10, s6;
	s1 =	simm.s32 @p0 $0x1;
	p0 =	sgt.u32 s25, $0x6  }
0x1e: {  	s6 =	sor.u32 s21, s13;
	[smem:$0x7F9] =	sst s1;
	s1 =	simm.s32 @!p0 $0x0  }
0x1f: {  	s13 =	sor.u32 s31, s30;
	s1 =	simm.s32 @p0 $0x1;
	p0 =	sgt.u32 s25, $0x5  }
0x20: {  	s23 =	sshrl.u32 s6, $0x3;
	[smem:$0x7FA] =	sst s1;
	s1 =	simm.s32 @!p0 $0x0  }
0x21: {  	s28 =	sadd.s32 $0x800E00, s10;
	s1 =	simm.s32 @p0 $0x1;
	p0 =	sgt.u32 s25, $0x4  }
.Ltmp0:
0x22: {  	[smem:$0x7FB] =	sst s1;
	s1 =	simm.s32 @!p0 $0x0;
	(pc) =	sbr.rel .LBB2_1-.Ltmp0, $4  }
0x23: {  	[dreg:$0x8] =	wrdreg s28;
	s1 =	simm.s32 @p0 $0x1;
	p0 =	sgt.u32 s25, $0x3  }
0x24: {  	s29 =	sadd.s32 s7, s23;
	[smem:$0x7FC] =	sst s1;
	s1 =	simm.s32 @!p0 $0x0  }
0x25: {  	s10 =	sadd.s32 $0x801000, s10;
	[dreg:$0x9] =	wrdreg s29;
	s1 =	simm.s32 @p0 $0x1  }
0x26: {  	v1 =	vlaneseq.u32;
	v2 =	vimm.s32 $0x0;
	v0 =	vmov s26;
	s13 =	sor.u32 $0x30, s13;
	p0 =	sgt.u32 s25, $0x1;
	[smem:$0x7FD] =	sst s1  }
.LBB2_8:
0x27: {  	s1 =	simm.s32 $0x4  }
0x28: {  	_ =	swait.ge [sflag:s1], $0x4000  }
0x29: {  	[sflag:s1] =	ssyncset.done $0x0  }
0x2a: {  	s25 =	simm.s32 $0x3;
	[sflag:s1] =	ssyncadd.s32 $0xFFFFC000  }
.LBB2_9:
0x2b: {  	_ =	swait.ge [sflag:s25], $0x4000  }
0x2c: {  	[sflag:s25] =	ssyncset.done $0x0  }
0x2d: {  	[sflag:s25] =	ssyncadd.s32 $0xFFFFC000  }
.LBB2_10:
0x2e: {  	s24 =	sadd.s32 $0x1, s24  }
0x2f: {  	p2 =	sne.s32 s24, s12  }
.Ltmp1:
0x30: {  	_ = 	snop;
	(pc) =	sbr.rel @!p2 .LBB2_11-.Ltmp1, $1  }
0x31: {  	_ =	sdelay $0x3  }
.LBB2_1:
0x32: {  	s1 =	rddreg [dreg:$0x7]  }
0x33: {  	[tilespmem:s3], [sflag:$0x5] =	stream.linear.gather [hbm4b:s1+s3], $0x4000, $0x38;
	[tilespmem:$0x10210] =	vst v63  }
0x34: {  	_ =	swait.ge [sflag:s14], $0x4000  }
0x35: {  	[sflag:s14] =	ssyncset.done $0x0  }
0x36: {  	s25 =	simm.s32 $0x20;
	[sflag:s14] =	ssyncadd.s32 $0xFFFFC000  }
0x37: {  	v3 =	vld [tilespmem:s25+$0xFFFFFFE0];
	_ =	sdelay $0x3  }
0x38: {  	s26 =	sadd.s32 $0xFFFFFFD0, s13  }
0x39: {  	vm0 =	veq.s32 v3, $0x3;
	v3 =	vor.u32 s26, v1  }
0x3a: {  	[tilespmem:s3+$0x4000] =	vst.msk vm0, v3;
	v3 =	vsel vm0, $0x1, v2  }
0x3b: {  	v4 =	vld [tilespmem:s25+$0xFFFFFFF0];
	(xrf0) =	vadd.scan.msk.s32 $0xffff, v3;
	_ =	sdelay $0x4  }
0x3c: {  	vm13 =	veq.s32 v4, $0x3  }
0x3d: {  	v3 =	vsel vm13, $0x1, v2;
	v4, _, _ =	vpop (xrf0)  }
0x3e: {  	(v2sf) =	vpush v4, $0xF;
	(xrf0) =	vadd.scan.msk.s32 $0xffff, v3;
	_ =	sdelay $0x5  }
0x3f: {  	v3, _, _ =	vpop (xrf0)  }
0x40: {  	(v2sf) =	vpush v3, $0xF;
	_ =	sdelay $0x7  }
0x41: {  	s22 =	sadd.s32 $0xFFFFFFE0, s13;
	s28 =	spop (v2sf)  }
0x42: {  	v3 =	vor.u32 s22, v1;
	s28 =	sadd.s32 $0x0, s28  }
0x43: {  	[tilespmem:s28+$0x4000] =	vst.msk vm13, v3  }
0x44: {  	v3 =	vld [tilespmem:s25+$0x0];
	_ =	sdelay $0x3  }
0x45: {  	s23 =	sadd.s32 $0xFFFFFFF0, s13;
	s29 =	spop (v2sf)  }
0x46: {  	s28 =	sadd.s32 s28, s29;
	vm14 =	veq.s32 v3, $0x3;
	v3 =	vor.u32 s23, v1  }
0x47: {  	[tilespmem:s28+$0x4000] =	vst.msk vm14, v3  }
0x48: {  	v3 =	vld [tilespmem:s25+$0x10];
	_ =	sdelay $0x1  }
0x49: {  	v4 =	vsel vm14, $0x1, v2  }
0x4a: {  	(xrf0) =	vadd.scan.msk.s32 $0xffff, v4;
	_ =	sdelay $0x1  }
0x4b: {  	vm15 =	veq.s32 v3, $0x3  }
0x4c: {  	v3 =	vsel vm15, $0x1, v2;
	_ =	sdelay $0x2  }
0x4d: {  	(xrf0) =	vadd.scan.msk.s32 $0xffff, v3;
	v3, _, _ =	vpop (xrf0)  }
0x4e: {  	(v2sf) =	vpush v3, $0xF;
	_ =	sdelay $0x5  }
0x4f: {  	v3, _, _ =	vpop (xrf0)  }
0x50: {  	(v2sf) =	vpush v3, $0xF;
	_ =	sdelay $0x7  }
0x51: {  	s26 =	spop (v2sf)  }
0x52: {  	v3 =	vor.u32 s13, v1;
	s29 =	sadd.s32 s28, s26  }
0x53: {  	s26 =	simm.s32 $0x60;
	[tilespmem:s29+$0x4000] =	vst.msk vm15, v3  }
0x54: {  	v3 =	vld [tilespmem:s26+$0xFFFFFFE0];
	_ =	sdelay $0x2  }
0x55: {  	s25 =	sadd.s32 $0x40, s13  }
0x56: {  	s30 =	sadd.s32 $0xFFFFFFD0, s25;
	s28 =	simm.s32 $0x4;
	s31 =	spop (v2sf)  }
.LBB2_2:
0x57: {  	s28 =	sadd.s32 $0x4, s28;
	vm0 =	veq.s32 v3, $0x3;
	v3 =	vor.u32 s30, v1;
	s29 =	sadd.s32 s29, s31  }
0x58: {  	p2 =	slt.u32 s28, $0x3FC;
	[tilespmem:s29+$0x4000] =	vst.msk vm0, v3;
	v3 =	vsel vm0, $0x1, v2  }
0x59: {  	v4 =	vld [tilespmem:s26+$0xFFFFFFF0];
	(xrf0) =	vadd.scan.msk.s32 $0xffff, v3;
	_ =	sdelay $0x4  }
0x5a: {  	vm0 =	veq.s32 v4, $0x3  }
0x5b: {  	v3 =	vsel vm0, $0x1, v2;
	v4, _, _ =	vpop (xrf0)  }
0x5c: {  	(v2sf) =	vpush v4, $0xF;
	(xrf0) =	vadd.scan.msk.s32 $0xffff, v3;
	_ =	sdelay $0x5  }
0x5d: {  	v3, _, _ =	vpop (xrf0)  }
0x5e: {  	(v2sf) =	vpush v3, $0xF;
	_ =	sdelay $0x7  }
0x5f: {  	s30 =	sadd.s32 $0xFFFFFFE0, s25;
	s31 =	spop (v2sf)  }
0x60: {  	v3 =	vor.u32 s30, v1;
	s29 =	sadd.s32 s29, s31  }
0x61: {  	[tilespmem:s29+$0x4000] =	vst.msk vm0, v3  }
0x62: {  	v3 =	vld [tilespmem:s26+$0x0];
	_ =	sdelay $0x3  }
0x63: {  	s30 =	sadd.s32 $0xFFFFFFF0, s25;
	s31 =	spop (v2sf)  }
0x64: {  	s29 =	sadd.s32 s29, s31;
	vm0 =	veq.s32 v3, $0x3;
	v3 =	vor.u32 s30, v1  }
0x65: {  	[tilespmem:s29+$0x4000] =	vst.msk vm0, v3;
	v3 =	vsel vm0, $0x1, v2  }
0x66: {  	v4 =	vld [tilespmem:s26+$0x10];
	(xrf0) =	vadd.scan.msk.s32 $0xffff, v3;
	_ =	sdelay $0x4  }
0x67: {  	vm0 =	veq.s32 v4, $0x3  }
0x68: {  	v3 =	vsel vm0, $0x1, v2;
	v4, _, _ =	vpop (xrf0)  }
0x69: {  	(v2sf) =	vpush v4, $0xF;
	(xrf0) =	vadd.scan.msk.s32 $0xffff, v3;
	_ =	sdelay $0x5  }
0x6a: {  	v3, _, _ =	vpop (xrf0)  }
0x6b: {  	(v2sf) =	vpush v3, $0xF;
	_ =	sdelay $0x7  }
0x6c: {  	s30 =	spop (v2sf)  }
0x6d: {  	v3 =	vor.u32 s25, v1;
	s29 =	sadd.s32 s29, s30  }
0x6e: {  	s26 =	sadd.s32 $0x40, s26;
	[tilespmem:s29+$0x4000] =	vst.msk vm0, v3  }
.Ltmp2:
0x6f: {  	v3 =	vld [tilespmem:s26+$0xFFFFFFE0];
	(pc) =	sbr.rel @p2 .LBB2_2-.Ltmp2, $3  }
0x70: {  	_ =	sdelay $0x1  }
0x71: {  	s25 =	sadd.s32 $0x40, s25  }
0x72: {  	s30 =	sadd.s32 $0xFFFFFFD0, s25;
	s31 =	spop (v2sf)  }
0x73: {  	vm0 =	veq.s32 v3, $0x3;
	v3 =	vor.u32 s30, v1;
	s28 =	sadd.s32 s29, s31  }
0x74: {  	[tilespmem:s28+$0x4000] =	vst.msk vm0, v3;
	v3 =	vsel vm0, $0x1, v2  }
0x75: {  	v4 =	vld [tilespmem:s26+$0xFFFFFFF0];
	(xrf0) =	vadd.scan.msk.s32 $0xffff, v3;
	_ =	sdelay $0x4  }
0x76: {  	vm13 =	veq.s32 v4, $0x3  }
0x77: {  	v3 =	vsel vm13, $0x1, v2;
	v53, _, _ =	vpop (xrf0)  }
0x78: {  	(v2sf) =	vpush v53, $0xF;
	(xrf0) =	vadd.scan.msk.s32 $0xffff, v3;
	_ =	sdelay $0x5  }
0x79: {  	v3, _, _ =	vpop (xrf0)  }
0x7a: {  	(v2sf) =	vpush v3, $0xF;
	_ =	sdelay $0x7  }
0x7b: {  	s6 =	sadd.s32 $0xFFFFFFE0, s25;
	s7 =	spop (v2sf)  }
0x7c: {  	v3 =	vor.u32 s6, v1;
	s28 =	sadd.s32 s28, s7  }
0x7d: {  	[tilespmem:s28+$0x4000] =	vst.msk vm13, v3  }
0x7e: {  	v3 =	vld [tilespmem:s26+$0x0];
	_ =	sdelay $0x3  }
0x7f: {  	s16 =	sadd.s32 $0xFFFFFFF0, s25;
	s17 =	spop (v2sf)  }
0x80: {  	s28 =	sadd.s32 s28, s17;
	vm14 =	veq.s32 v3, $0x3;
	v3 =	vor.u32 s16, v1  }
0x81: {  	[tilespmem:s28+$0x4000] =	vst.msk vm14, v3  }
0x82: {  	v3 =	vld [tilespmem:s26+$0x10];
	_ =	sdelay $0x4  }
0x83: {  	v54 =	vsel vm14, $0x1, v2;
	vm15 =	veq.s32 v3, $0x3  }
0x84: {  	(xrf0) =	vadd.scan.msk.s32 $0xffff, v54;
	v3 =	vsel vm15, $0x1, v2  }
0x85: {  	(xrf0) =	vadd.scan.msk.s32 $0xffff, v3;
	_ =	sdelay $0x4  }
0x86: {  	v3, _, _ =	vpop (xrf0)  }
0x87: {  	(v2sf) =	vpush v3, $0xF;
	v3, _, _ =	vpop (xrf0)  }
0x88: {  	(v2sf) =	vpush v3, $0xF;
	_ =	sdelay $0xd  }
0x89: {  	s18 =	spop (v2sf)  }
0x8a: {  	v3 =	vor.u32 s25, v1;
	s26 =	sadd.s32 s28, s18;
	s19 =	spop (v2sf)  }
0x8b: {  	[tilespmem:s26+$0x4000] =	vst.msk vm15, v3;
	s25 =	sadd.s32 s26, s19  }
0x8c: {  	[tilespmem:s25+$0x4000] =	vst v0  }
0x8d: {  	[tilespmem:s25+$0x4010] =	vst v0  }
0x8e: {  	[tilespmem:s25+$0x4020] =	vst v0  }
0x8f: {  	[tilespmem:s25+$0x4030] =	vst v0  }
0x90: {  	[tilespmem:s25+$0x4040] =	vst v0  }
0x91: {  	[tilespmem:s25+$0x4050] =	vst v0  }
0x92: {  	s1 =	rddreg [dreg:$0x8];
	s2 =	simm.s32 $0x80;
	[tilespmem:s25+$0x4060] =	vst v0  }
0x93: {  	s5 =	simm.s32 $0x400;
	s6 =	simm.s32 $0x4000;
	[tilespmem:s25+$0x4070] =	vst v0;
	v3 =	vmov s25;
	s25 =	sadd.s32 $0x7F, s25  }
0x94: {  	s26 =	simm.s32 $0x1;
	[tilespmem:$0x10080] =	vst v3;
	s21 =	sand.u32 $0x7F, s25;
	s22 =	sshra.s32 s25, $0x1F  }
0x95: {  	[hbm4b:s1+s3] =	stream.linear.scatter [tilespmem:s15], [sflag:$0x5], $0x80, $0x38;
	[tilespmem:$0x10210] =	vst v63  }
0x96: {  	p2 =	slt.s32 s25, $0x1;
	p3 =	sne.s32 s21, $0x0;
	s23 =	sshrl.u32 s22, $0x19  }
0x97: {  	_ =	swait.ge [sflag:s14], $0x80;
	p2 =	por !p2, !p3;
	s25 =	sadd.s32 s23, s25  }
0x98: {  	[sflag:s14] =	ssyncset.done $0x0;
	s20 =	rddreg [dreg:$0x9];
	p2 =	por !p2, !p2  }
0x99: {  	s25 =	sshra.s32 s25, $0x7;
	[sflag:s14] =	ssyncadd.s32 $0xFFFFFF80;
	s26 =	simm.s32 @!p2 $0x0  }
0x9a: {  	[hbm4b:s20+s2] =	stream.strided.scatter [tilespmem:s6], [sflag:$0x5], $0x4000, s5, s2, $0x38;
	[tilespmem:$0x10210] =	vst v63  }
0x9b: {  	s25 =	ssub.s32 s25, s26;
	_ =	swait.ge [sflag:s14], $0x4000  }
0x9c: {  	s26 =	sshll.u32 s25, $0x7;
	[sflag:s14] =	ssyncset.done $0x0  }
0x9d: {  	v3 =	vmov s26;
	[sflag:s14] =	ssyncadd.s32 $0xFFFFC000  }
0x9e: {  	[tilespmem:$0x10080] =	vst v3  }
0x9f: {  	[spmem:s8] =	stream.linear.scatter [tilespmem:s15], [sflag:$0x5], $0x10, $0x38;
	[tilespmem:$0x10210] =	vst v63  }
0xa0: {  	_ =	swait.ge [sflag:s14], $0x10  }
0xa1: {  	[sflag:s14] =	ssyncset.done $0x0  }
0xa2: {  	[sflag:s14] =	ssyncadd.s32 $0xFFFFFFF0  }
0xa3: {  	[bflag:$0x0] =	sbarrier.arrive $0xFFFF  }
0xa4: {  	s28 =	simm.s32 $0x10100;
	s26 =	rddreg [dreg:$0x5]  }
0xa5: {  	[tilespmem:s28], [sflag:$0x5] =	stream.linear.gather [spmem:s26], $0x100, $0x38;
	[tilespmem:$0x10210] =	vst v63  }
0xa6: {  	_ =	swait.ge [sflag:s14], $0x100  }
0xa7: {  	[sflag:s14] =	ssyncset.done $0x0  }
0xa8: {  	[sflag:s14] =	ssyncadd.s32 $0xFFFFFF00  }
0xa9: {  	v3 =	vld [tilespmem:$0x10100]  }
0xaa: {  	v55 =	vld [tilespmem:$0x10110]  }
0xab: {  	v5 =	vld [tilespmem:$0x10120];
	_ =	sdelay $0x2  }
0xac: {  	v6 =	vld [tilespmem:$0x10130];
	(v2sf) =	vpush v3, $0x0  }
0xad: {  	v3 =	vld [tilespmem:$0x10140];
	(v2sf) =	vpush v55, $0x0  }
0xae: {  	v56 =	vld [tilespmem:$0x10150];
	(v2sf) =	vpush v5, $0x0  }
0xaf: {  	v57 =	vld [tilespmem:$0x10160]  }
0xb0: {  	v58 =	vld [tilespmem:$0x10170]  }
0xb1: {  	v7 =	vld [tilespmem:$0x10180];
	(v2sf) =	vpush v6, $0x0  }
0xb2: {  	(v2sf) =	vpush v3, $0x0  }
0xb3: {  	(v2sf) =	vpush v56, $0x0  }
0xb4: {  	(v2sf) =	vpush v57, $0x0  }
0xb5: {  	v3 =	vld [tilespmem:$0x10190];
	(v2sf) =	vpush v58, $0x0  }
0xb6: {  	(v2sf) =	vpush v7, $0x0;
	_ =	sdelay $0x1  }
0xb7: {  	v59 =	vld [tilespmem:$0x101A0];
	_ =	sdelay $0x1  }
0xb8: {  	(v2sf) =	vpush v3, $0x0  }
0xb9: {  	s6 =	sld [smem:$0x7FC];
	s26 =	spop (v2sf)  }
0xba: {  	s7 =	sld [smem:$0x7FB];
	s1 =	spop (v2sf)  }
0xbb: {  	(v2sf) =	vpush v59, $0x0;
	s31 =	smov.u32 s26;
	s23 =	spop (v2sf);
	s28 =	smov.u32 s1  }
0xbc: {  	v60 =	vld [tilespmem:$0x101B0];
	s31 =	simm.s32 @p1 $0x0;
	s28 =	simm.s32 @!p0 $0x0;
	s29 =	smov.u32 s23  }
0xbd: {  	s16 =	sld [smem:$0x7FA];
	v61 =	vld [tilespmem:$0x101C0];
	s28 =	sadd.s32 s31, s28;
	s29 =	simm.s32 @!p6 $0x0  }
0xbe: {  	s30 =	spop (v2sf);
	s28 =	sadd.s32 s29, s28;
	s29 =	sld [smem:$0x7FD]  }
0xbf: {  	s18 =	sld [smem:$0x7F9];
	s2 =	spop (v2sf)  }
0xc0: {  	s19 =	sld [smem:$0x7F8];
	s17 =	spop (v2sf)  }
0xc1: {  	(v2sf) =	vpush v60, $0x0;
	s31 =	smov.u32 s30;
	s20 =	spop (v2sf);
	p2 =	seq.s32 s29, $0x1  }
0xc2: {  	v62 =	vld [tilespmem:$0x101D0];
	(v2sf) =	vpush v61, $0x0;
	s29 =	smov.u32 s2;
	s21 =	spop (v2sf);
	s31 =	simm.s32 @!p2 $0x0  }
0xc3: {  	p2 =	seq.s32 s6, $0x1;
	s22 =	spop (v2sf);
	s6 =	sld [smem:$0x7F7]  }
0xc4: {  	s28 =	sadd.s32 s31, s28;
	s29 =	simm.s32 @!p2 $0x0;
	s31 =	smov.u32 s17  }
0xc5: {  	p2 =	seq.s32 s7, $0x1;
	s7 =	sld [smem:$0x7F6];
	s28 =	sadd.s32 s29, s28  }
0xc6: {  	s31 =	simm.s32 @!p2 $0x0;
	s29 =	smov.u32 s20;
	p2 =	seq.s32 s16, $0x1  }
0xc7: {  	v3 =	vld [tilespmem:$0x101E0];
	(v2sf) =	vpush v62, $0x0;
	s16 =	spop (v2sf);
	s28 =	sadd.s32 s31, s28;
	s29 =	simm.s32 @!p2 $0x0  }
0xc8: {  	s31 =	smov.u32 s21;
	p2 =	seq.s32 s18, $0x1;
	s28 =	sadd.s32 s29, s28  }
0xc9: {  	s31 =	simm.s32 @!p2 $0x0;
	s29 =	smov.u32 s22;
	p2 =	seq.s32 s19, $0x1  }
0xca: {  	s18 =	spop (v2sf);
	s28 =	sadd.s32 s31, s28;
	s29 =	simm.s32 @!p2 $0x0  }
0xcb: {  	s31 =	smov.u32 s16;
	p2 =	seq.s32 s6, $0x1;
	s28 =	sadd.s32 s29, s28  }
0xcc: {  	(v2sf) =	vpush v3, $0x0;
	s31 =	simm.s32 @!p2 $0x0;
	s29 =	smov.u32 s18;
	p2 =	seq.s32 s7, $0x1  }
0xcd: {  	s28 =	sadd.s32 s31, s28;
	s29 =	simm.s32 @!p2 $0x0  }
0xce: {  	s28 =	sadd.s32 s29, s28;
	s29 =	sld [smem:$0x7F5]  }
0xcf: {  	s7 =	sld [smem:$0x7F4]  }
0xd0: {  	s19 =	spop (v2sf)  }
0xd1: {  	s5 =	spop (v2sf);
	s31 =	smov.u32 s19;
	p2 =	seq.s32 s29, $0x1  }
0xd2: {  	s29 =	smov.u32 s5;
	s31 =	simm.s32 @!p2 $0x0;
	p2 =	seq.s32 s7, $0x1  }
0xd3: {  	s28 =	sadd.s32 s31, s28;
	s29 =	simm.s32 @!p2 $0x0  }
0xd4: {  	s28 =	sadd.s32 s29, s28;
	s29 =	sld [smem:$0x7F3];
	_ =	sdelay $0x1  }
0xd5: {  	s6 =	spop (v2sf)  }
0xd6: {  	s31 =	smov.u32 s6;
	p2 =	seq.s32 s29, $0x1  }
0xd7: {  	s31 =	simm.s32 @!p2 $0x0  }
0xd8: {  	s28 =	sadd.s32 s31, s28;
	s31 =	sld [smem:$0x7F2];
	_ =	sdelay $0x1  }
0xd9: {  	s7 =	spop (v2sf)  }
0xda: {  	s29 =	smov.u32 s7;
	p2 =	seq.s32 s31, $0x1  }
0xdb: {  	s29 =	simm.s32 @!p2 $0x0  }
0xdc: {  	s28 =	sadd.s32 s29, s28  }
0xdd: {  	v3 =	vld [tilespmem:$0x101F0];
	s31 =	sadd.s32 s9, s28  }
0xde: {  	v63 =	vmov s31  }
0xdf: {  	[tilespmem:$0x10080] =	vst v63  }
0xe0: {  	[hbm4b:s10+s3] =	stream.linear.scatter [tilespmem:s15], [sflag:$0x5], $0x80, $0x38;
	[tilespmem:$0x10210] =	vst v63  }
0xe1: {  	_ =	swait.ge [sflag:s14], $0x80  }
0xe2: {  	(v2sf) =	vpush @!p5 v3, $0x0;
	_ =	sdelay $0x1  }
0xe3: {  	s1 =	sadd.s32 @!p5 s26, s1  }
0xe4: {  	s1 =	sadd.s32 @!p5 s23, s1  }
0xe5: {  	s1 =	sadd.s32 @!p5 s30, s1  }
0xe6: {  	s1 =	sadd.s32 @!p5 s2, s1  }
0xe7: {  	s1 =	sadd.s32 @!p5 s17, s1  }
0xe8: {  	s1 =	sadd.s32 @!p5 s20, s1  }
0xe9: {  	s1 =	sadd.s32 @!p5 s21, s1  }
0xea: {  	s1 =	sadd.s32 @!p5 s22, s1  }
0xeb: {  	s1 =	sadd.s32 @!p5 s16, s1  }
0xec: {  	s1 =	sadd.s32 @!p5 s18, s1  }
0xed: {  	s1 =	sadd.s32 @!p5 s19, s1  }
0xee: {  	s1 =	sadd.s32 @!p5 s5, s1  }
0xef: {  	s1 =	sadd.s32 @!p5 s6, s1  }
0xf0: {  	s1 =	sadd.s32 @!p5 s7, s1;
	s2 =	spop @!p5 (v2sf)  }
0xf1: {  	[sflag:s14] =	ssyncset.done $0x0;
	s1 =	sadd.s32 @!p5 s2, s1  }
0xf2: {  	[sflag:s14] =	ssyncadd.s32 $0xFFFFFF80;
	v3 =	vmov @!p5 s1  }
0xf3: {  	p2 =	slt.s32 s25, $0x1;
	s2 =	simm.s32 @!p5 $0x10080;
	s1 =	simm.s32 @!p5 $0x0;
	[tilespmem:$0x10080] =	vst @!p5 v3  }
0xf4: {  	[hbm4b:s11+s1] =	stream.linear.scatter @!p5 [tilespmem:s2], [sflag:$0x5], $0x80, $0x38;
	[tilespmem:$0x10210] =	vst v63  }
.Ltmp3:
0xf5: {  	_ = 	snop;
	(pc) =	sbr.rel @p2 .LBB2_10-.Ltmp3, $4  }
0xf6: {  	s1 =	simm.s32 @!p5 $0x5  }
0xf7: {  	_ =	swait.ge @!p5 [sflag:s1], $0x80  }
0xf8: {  	[sflag:s1] =	ssyncset.done @!p5 $0x0  }
0xf9: {  	[sflag:s1] =	ssyncadd.s32 @!p5 $0xFFFFFF80  }
0xfa: {  	s1 =	simm.s32 $0x80;
	s2 =	simm.s32 $0x4000  }
0xfb: {  	s6 =	simm.s32 $0x8080;
	s30 =	simm.s32 $0x1;
	p2 =	seq.s32 s25, $0x1  }
0xfc: {  	[tilespmem:s6], [sflag:$0x1] =	stream.indirect.gather [hbm4b:s0+s1], $0x80, s2, s1, $0xb8;
	[tilespmem:$0x10210] =	vst v63  }
0xfd: {  	s26 =	sshll.u32 s31, $0x7;
	s1 =	simm.s32 @!p2 $0x80;
	_ =	swait.ge [sflag:s30], $0x4000  }
.Ltmp4:
0xfe: {  	s2 =	simm.s32 @!p2 $0x4080;
	[sflag:s30] =	ssyncset.done $0x0;
	(pc) =	sbr.rel @p2 .LBB2_7-.Ltmp4, $4  }
0xff: {  	s5 =	simm.s32 @!p2 $0xC080;
	s31 =	sshrl.u32 s26, $0x3;
	[sflag:s30] =	ssyncadd.s32 $0xFFFFC000  }
0x100: {  	[tilespmem:s5], [sflag:$0x2] =	stream.indirect.gather @!p2 [hbm4b:s0+s1], $0x80, s2, s1, $0xb8;
	[tilespmem:$0x10210] =	vst v63  }
0x101: {  	s28 =	simm.s32 $0x1;
	s1 =	sadd.s32 s4, s31  }
0x102: {  	[hbm4b:s1+s3] =	stream.linear.scatter [tilespmem:s6], [sflag:$0x3], $0x4000, $0x38;
	[tilespmem:$0x10210] =	vst v63  }
.LBB2_5:
0x103: {  	s1 =	sand.u32 $0x1, s28  }
0x104: {  	p3 =	seq.s32 s1, $0x1  }
0x105: {  	s1 =	simm.s32 @p3 $0x2;
	s2 =	sadd.s32 @p3 $0x1, s28  }
0x106: {  	_ =	swait.ge @p3 [sflag:s1], $0x4000;
	p4 =	sge.s32 @p3 s2, s25  }
0x107: {  	[sflag:s1] =	ssyncset.done @p3 $0x0;
	p4 =	por p4, !p3  }
0x108: {  	[sflag:s1] =	ssyncadd.s32 @p3 $0xFFFFC000;
	s1 =	simm.s32 @!p4 $0x3  }
0x109: {  	_ =	swait.ge @!p4 [sflag:s1], $0x4000  }
0x10a: {  	s5 =	sshll.u32 @!p4 s2, $0x9;
	[sflag:s1] =	ssyncset.done @!p4 $0x0  }
0x10b: {  	[sflag:s1] =	ssyncadd.s32 @!p4 $0xFFFFC000;
	s1 =	sshra.s32 @!p4 s5, $0x2  }
0x10c: {  	s6 =	simm.s32 @!p4 $0x8080;
	s5 =	simm.s32 @!p4 $0x80;
	s1 =	sadd.s32 @!p4 $0x4000, s1  }
0x10d: {  	[tilespmem:s6], [sflag:$0x1] =	stream.indirect.gather @!p4 [hbm4b:s0+s5], $0x80, s1, s5, $0xb8;
	[tilespmem:$0x10210] =	vst v63  }
0x10e: {  	s1 =	sshll.u32 @p3 s28, $0xE  }
0x10f: {  	s1 =	sadd.s32 @p3 s26, s1  }
0x110: {  	s1 =	sshrl.u32 @p3 s1, $0x3  }
0x111: {  	s5 =	simm.s32 @p3 $0x0;
	s6 =	simm.s32 @p3 $0xC080;
	s1 =	sadd.s32 @p3 s4, s1  }
0x112: {  	[hbm4b:s1+s5] =	stream.linear.scatter @p3 [tilespmem:s6], [sflag:$0x4], $0x4000, $0x38;
	[tilespmem:$0x10210] =	vst v63  }
0x113: {  	s1 =	simm.s32 @!p3 $0x1;
	s5 =	sor.u32 @!p3 $0x1, s28  }
0x114: {  	_ =	swait.ge @!p3 [sflag:s1], $0x4000;
	p4 =	sge.s32 @!p3 s5, s25  }
0x115: {  	[sflag:s1] =	ssyncset.done @!p3 $0x0;
	p4 =	por p4, p3  }
0x116: {  	[sflag:s1] =	ssyncadd.s32 @!p3 $0xFFFFC000;
	s1 =	simm.s32 @!p4 $0x4  }
0x117: {  	_ =	swait.ge @!p4 [sflag:s1], $0x4000  }
0x118: {  	s6 =	sshll.u32 @!p4 s5, $0x9;
	[sflag:s1] =	ssyncset.done @!p4 $0x0  }
0x119: {  	[sflag:s1] =	ssyncadd.s32 @!p4 $0xFFFFC000;
	s1 =	sshra.s32 @!p4 s6, $0x2  }
0x11a: {  	s7 =	simm.s32 @!p4 $0xC080;
	s6 =	simm.s32 @!p4 $0x80;
	s1 =	sadd.s32 @!p4 $0x4000, s1  }
0x11b: {  	[tilespmem:s7], [sflag:$0x2] =	stream.indirect.gather @!p4 [hbm4b:s0+s6], $0x80, s1, s6, $0xb8;
	[tilespmem:$0x10210] =	vst v63  }
0x11c: {  	s1 =	sshll.u32 @!p3 s28, $0xE  }
0x11d: {  	s1 =	sadd.s32 @!p3 s26, s1  }
0x11e: {  	s5 =	smov.u32 @p3 s2;
	s1 =	sshrl.u32 @!p3 s1, $0x3  }
0x11f: {  	s6 =	simm.s32 @!p3 $0x0;
	s7 =	simm.s32 @!p3 $0x8080;
	s1 =	sadd.s32 @!p3 s4, s1  }
0x120: {  	[hbm4b:s1+s6] =	stream.linear.scatter @!p3 [tilespmem:s7], [sflag:$0x3], $0x4000, $0x38;
	[tilespmem:$0x10210] =	vst v63  }
0x121: {  	p3 =	sne.s32 s5, s25  }
.Ltmp5:
0x122: {  	_ = 	snop;
	(pc) =	sbr.rel @p3 .LBB2_5-.Ltmp5, $2  }
0x123: {  	_ =	sdelay $0x2  }
0x124: {  	s28 =	smov.u32 s5  }
0x125: {  	s1 =	sand.u32 $0x1, s25  }
0x126: {  	p3 =	seq.s32 s1, $0x0  }
.Ltmp6:
0x127: {  	_ = 	snop;
	(pc) =	sbr.rel @p3 .LBB2_8-.Ltmp6, $1  }
0x128: {  	_ =	sdelay $0x3  }
.LBB2_7:
.Ltmp7:
0x129: {  	(pc) =	sbr.rel @p2 .LBB2_10-.Ltmp7, $4  }
.Ltmp8:
0x12a: {  	s1 =	simm.s32 $0x3;
	(pc) =	sbr.rel @!p2 .LBB2_9-.Ltmp8, $4  }
0x12b: {  	_ =	swait.ge [sflag:s1], $0x4000  }
0x12c: {  	[sflag:s1] =	ssyncset.done $0x0  }
0x12d: {  	s25 =	simm.s32 $0x4;
	[sflag:s1] =	ssyncadd.s32 $0xFFFFC000  }
0x12e: {  	_ = 	snop  }
.LBB2_11:
0x12f: {  	_ =	sfence.sel $0x180000  }
0x130: {  	[bflag:$0x0] =	sbarrier.arrive $0xFFFF  }
0x131: {  	_ =	strace $0x90000047  }
0x132: {  	[bflag:$0x2] =	sbarrier.arrive $0xFFFF  }
0x133: {  	s0 =	rddreg [dreg:$0x6]  }
0x134: {  	s0 =	sadd.s32 @!p5 $0x100000, s0  }
0x135: {  	[sflag:s0] =	ssyncadd.tile.s32 @!p5 $0x1;
	_ =	shalt  }
.Lfunc_end2:
_tile_overlayer_lowered:
.L_overlay_start_2:
0x136: {  	(tag) =	ssettag $0x2  }
0x137: {  	s0 =	rddreg [dreg:$0x0];
	s2 =	stileid.u32  }
0x138: {  	s1 =	rddreg [dreg:$0x1];
	p0 =	sne.s32 s2, $0x0  }
0x139: {  	s3 =	rddreg [dreg:$0x2];
	[bflag:$0x3] =	sbarrier.arrive $0xFFFF;
	s2 =	simm.s32 @!p0 $0x1C05  }
0x13a: {  	[timem:s3], [sflag:s2] =	dma.local @!p0 [hbm:s0], s1  }
0x13b: {  	s0 =	simm.s32 @!p0 $0x5  }
0x13c: {  	_ =	swait.ge @!p0 [sflag:s0], s1  }
0x13d: {  	s1 =	ssub.s32 @!p0 $0x0, s1;
	[sflag:s0] =	ssyncset.done @!p0 $0x0  }
0x13e: {  	[sflag:s0] =	ssyncadd.s32 @!p0 s1  }
0x13f: {  	[bflag:$0x3] =	sbarrier.arrive $0xFFFF  }
0x140: {  	_ =	shalt  }

// kernel: kernel.9.cloned.1.call-start
scs
__scs_entry_jumppad:
0x0: {  	(pc) =	sbr.rel $0x88, $3  }
0x1: {  	(tag) =	ssettag $0x0;
	lr =	simm.s32 $0x1  }
0x2: {  	[smem:$0x3F9A] =	sst lr;
	_ =	strace $0xD0000000  }
0x3: {  	_ = 	snop  }
0x4: {  	_ = 	snop  }
0x5: {  	_ = 	snop  }
0x6: {  	_ = 	snop  }
0x7: {  	_ = 	snop  }
__scs_overlays_trampoline_lowered:
0x8: {  	[smem:$0x3FA9] =	sst s0  }
0x9: {  	[smem:$0x3FAA] =	sst s1  }
0xa: {  	[smem:$0x3FAB] =	sst s2  }
0xb: {  	[smem:$0x3FAC] =	sst s3  }
0xc: {  	[smem:$0x3FAD] =	sst s4  }
0xd: {  	[smem:$0x3FAE] =	sst s5  }
0xe: {  	[smem:$0x3FAF] =	sst s6  }
0xf: {  	[smem:$0x3FB0] =	sst s7  }
0x10: {  	[smem:$0x3FB1] =	sst s8  }
0x11: {  	[smem:$0x3FB2] =	sst s9;
	s0 =	simm.s32 @!p0 $0x0  }
0x12: {  	s1 =	sld [smem:$0x3F98];
	s0 =	simm.s32 @p0 $0x1  }
0x13: {  	[smem:$0x3FB3] =	sst s0;
	s0 =	simm.s32 @!p1 $0x0  }
0x14: {  	s2 =	sld [smem:$0x3F97];
	s0 =	simm.s32 @p1 $0x1  }
0x15: {  	[smem:$0x3FB4] =	sst s0;
	s0 =	simm.s32 @!p2 $0x0  }
0x16: {  	s3 =	sld [smem:$0x3FDB];
	s0 =	simm.s32 @p2 $0x1  }
0x17: {  	s4 =	simm.s32 $0x1BF5;
	[smem:$0x3FB6] =	sst s0  }
0x18: {  	s0 =	sld [smem:$0x3F99];
	_ =	swait.ge [sflag:s4], $0x0  }
0x19: {  	s7 =	sld [smem:$0x3F9A]  }
0x1a: {  	s8 =	sadd.s32 $0xFFFFE003, lr  }
0x1b: {  	s9 =	sadd.s32 $0xFFFFFEF7, lr;
	s5 =	simm.s32 $0xFFFFFFFF;
	p2 =	slt.u32 s8, $0xFFFFF086  }
0x1c: {  	p1 =	slt.u32 s9, $0xF7A;
	s5 =	simm.s32 @!p2 $0x0  }
0x1d: {  	s5 =	simm.s32 @p1 $0x1;
	p0 =	seq.s32 s7, s2  }
0x1e: {  	s7 =	smul.u32 @!p0 $0xF7A, s2;
	p2 =	seq.s32 @!p0 s5, $0x0  }
0x1f: {  	s9 =	smul.u32 $0xF7A, s1;
	s8 =	simm.s32 @!p0 $0x1BF5;
	p2 =	por !p2, p0  }
0x20: {  	[sflag:s8] =	ssyncset.s32 @!p0 $0xFFFFF086;
	s6 =	sadd.s32 @!p0 s3, s7;
	s7 =	simm.s32 @!p0 $0x108  }
0x21: {  	s3 =	sadd.s32 s3, s9;
	s6 =	sadd.s32 @!p0 $0x88, s6;
	s7 =	simm.s32 @p2 $0x1082  }
0x22: {  	[simem:s7], [sflag:s8] =	dma.local @!p0 [hbm:s6], $0xF7A  }
0x23: {  	s9 =	sor.u32 $0xD0000000, s2;
	s6 =	simm.s32 $0x108;
	_ =	swait.ge @!p0 [sflag:s8], $0x0  }
0x24: {  	s3 =	sadd.s32 $0x88, s3;
	s6 =	simm.s32 @!p1 $0x1082;
	[sflag:s4] =	ssyncset.s32 $0xFFFFF086  }
0x25: {  	[simem:s6], [sflag:s4] =	dma.local [hbm:s3], $0xF7A  }
0x26: {  	[smem:$0x3F9A] =	sst s1;
	(tag) =	ssettag s2;
	_ =	strace s9  }
0x27: {  	s1 =	sld [smem:$0x3FAA]  }
0x28: {  	s2 =	sld [smem:$0x3FAB]  }
0x29: {  	s4 =	sld [smem:$0x3FAD]  }
0x2a: {  	p0 =	seq.s32 s5, $0x0;
	s5 =	sld [smem:$0x3FAE]  }
0x2b: {  	s6 =	sld [smem:$0x3FAF]  }
0x2c: {  	s7 =	sld [smem:$0x3FB0]  }
0x2d: {  	s3 =	simm.s32 $0x108;
	s8 =	sld [smem:$0x3FB1]  }
0x2e: {  	s3 =	simm.s32 @!p0 $0x1082;
	s9 =	sld [smem:$0x3FB2]  }
0x2f: {  	lr =	sadd.s32 s0, s3;
	s0 =	sld [smem:$0x3FA9]  }
0x30: {  	s3 =	sld [smem:$0x3FAC]  }
0x31: {  	[smem:$0x3FB5] =	sst s10  }
0x32: {  	s10 =	sld [smem:$0x3FB3];
	_ =	sdelay $0x3  }
0x33: {  	p0 =	seq.s32 s10, $0x1;
	s10 =	sld [smem:$0x3FB5];
	_ =	sdelay $0x3  }
0x34: {  	[smem:$0x3FB5] =	sst s10  }
0x35: {  	s10 =	sld [smem:$0x3FB4];
	_ =	sdelay $0x3  }
0x36: {  	p1 =	seq.s32 s10, $0x1;
	s10 =	sld [smem:$0x3FB5];
	_ =	sdelay $0x3  }
0x37: {  	[smem:$0x3FB5] =	sst s10  }
0x38: {  	s10 =	sld [smem:$0x3FB6]  }
0x39: {  	_ = 	snop;
	(pc) =	sbr.ind lr, $3  }
0x3a: {  	_ = 	snop  }
0x3b: {  	_ = 	snop  }
0x3c: {  	p2 =	seq.s32 s10, $0x1;
	s10 =	sld [smem:$0x3FB5]  }
0x3d: {  	_ =	shalt  }
0x3e: {  	_ =	shalt  }
0x3f: {  	_ =	shalt  }
0x40: {  	_ =	shalt  }
0x41: {  	_ =	shalt  }
0x42: {  	_ =	shalt  }
0x43: {  	_ =	shalt  }
0x44: {  	_ =	shalt  }
0x45: {  	_ =	shalt  }
0x46: {  	_ =	shalt  }
0x47: {  	_ =	shalt  }
0x48: {  	_ =	shalt  }
0x49: {  	_ =	shalt  }
0x4a: {  	_ =	shalt  }
0x4b: {  	_ =	shalt  }
0x4c: {  	_ =	shalt  }
0x4d: {  	_ =	shalt  }
0x4e: {  	_ =	shalt  }
0x4f: {  	_ =	shalt  }
0x50: {  	_ =	shalt  }
0x51: {  	_ =	shalt  }
0x52: {  	_ =	shalt  }
0x53: {  	_ =	shalt  }
0x54: {  	_ =	shalt  }
0x55: {  	_ =	shalt  }
0x56: {  	_ =	shalt  }
0x57: {  	_ =	shalt  }
0x58: {  	_ =	shalt  }
0x59: {  	_ =	shalt  }
0x5a: {  	_ =	shalt  }
0x5b: {  	_ =	shalt  }
0x5c: {  	_ =	shalt  }
0x5d: {  	_ =	shalt  }
0x5e: {  	_ =	shalt  }
0x5f: {  	_ =	shalt  }
0x60: {  	_ =	shalt  }
0x61: {  	_ =	shalt  }
0x62: {  	_ =	shalt  }
0x63: {  	_ =	shalt  }
0x64: {  	_ =	shalt  }
0x65: {  	_ =	shalt  }
0x66: {  	_ =	shalt  }
0x67: {  	_ =	shalt  }
0x68: {  	_ =	shalt  }
0x69: {  	_ =	shalt  }
0x6a: {  	_ =	shalt  }
0x6b: {  	_ =	shalt  }
0x6c: {  	_ =	shalt  }
0x6d: {  	_ =	shalt  }
0x6e: {  	_ =	shalt  }
0x6f: {  	_ =	shalt  }
0x70: {  	_ =	shalt  }
0x71: {  	_ =	shalt  }
0x72: {  	_ =	shalt  }
0x73: {  	_ =	shalt  }
0x74: {  	_ =	shalt  }
0x75: {  	_ =	shalt  }
0x76: {  	_ =	shalt  }
0x77: {  	_ =	shalt  }
0x78: {  	_ =	shalt  }
0x79: {  	_ =	shalt  }
0x7a: {  	_ =	shalt  }
0x7b: {  	_ =	shalt  }
0x7c: {  	_ =	shalt  }
0x7d: {  	_ =	shalt  }
0x7e: {  	_ =	shalt  }
0x7f: {  	_ =	shalt  }
0x80: {  	_ =	shalt  }
0x81: {  	_ =	shalt  }
0x82: {  	_ =	shalt  }
0x83: {  	_ =	shalt  }
0x84: {  	_ =	shalt  }
0x85: {  	_ =	shalt  }
0x86: {  	_ =	shalt  }
0x87: {  	_ =	shalt  }
.Lfunc_end0:
.L_simem_size_0:
called_computation.1_lowered:
.L_overlay_start_0:
0x88: {  	s2 =	sld [smem:$0x3FD9]  }
0x89: {  	s3 =	sld [smem:$0x3FFE];
	_ =	sdelay $0x1  }
0x8a: {  	s1 =	srdreg.scid  }
0x8b: {  	s0 =	sand.u32 $0x1, s1  }
0x8c: {  	s14 =	sshll.u32 s0, $0xA;
	s2 =	sadd.s32 s3, s2  }
0x8d: {  	s2 =	sadd.s32 s2, s14  }
0x8e: {  	[smem:$0x3FC1] =	sst s2  }
0x8f: {  	_ = 	snop  }
0x90: {  	s2 =	sld [smem:$0x3FD0];
	_ =	sdelay $0x2  }
0x91: {  	s4 =	simm.s32 $0xA;
	s5 =	simm.s32 $0x10;
	s15 =	sld [smem:$0x3FC7]  }
0x92: {  	[smem:s5], [sflag:s4] =	dma.local [hbm:s2], $0x1  }
0x93: {  	_ =	swait.eq [sflag:s4], $0x1  }
0x94: {  	[sflag:s4] =	ssyncset.done $0x0  }
0x95: {  	s16 =	sld [smem:$0x11];
	[sflag:s4] =	ssyncadd.s32 $0xFFFFFFFF  }
0x96: {  	s17 =	sld [smem:$0x12];
	(tm) =	ssettm $0x1  }
0x97: {  	s18 =	sld [smem:$0x3FFB];
	_ =	sdelay $0x3  }
0x98: {  	_ =	strace s18  }
0x99: {  	s5 =	sld [smem:$0x3FFC];
	_ =	sdelay $0x3  }
0x9a: {  	_ =	strace s5  }
0x9b: {  	s5 =	sld [smem:$0x3FFD];
	_ =	sdelay $0x3  }
0x9c: {  	_ =	strace s5  }
0x9d: {  	_ =	strace $0x8FFFFFFF  }
0x9e: {  	s19 =	sld [smem:$0x3FDB];
	_ =	sdelay $0x1  }
0x9f: {  	s6 =	simm.s32 $_scs_section_size  }
0xa0: {  	s7 =	simm.s32 $_size__tile_overlayer_lowered;
	s8 =	simm.s32 $_tile_overlayer_lowered  }
0xa1: {  	s22 =	simm.s32 $0x1BFF;
	s21 =	sshll.u32 s8, $0x1;
	s5 =	sadd.s32 s6, s19  }
0xa2: {  	s9 =	simm.s32 $0x0;
	s20 =	sshll.u32 s7, $0x1;
	s7 =	sadd.s32 s21, s5  }
0xa3: {  	[timem:s9], [sflag:s22] =	dma.local [hbm:s7], s20  }
0xa4: {  	_ =	swait.ge [sflag:s22], s20  }
0xa5: {  	s6 =	ssub.s32 $0x0, s20;
	[sflag:s22] =	ssyncset.done $0x0  }
0xa6: {  	[sflag:s22] =	ssyncadd.s32 s6;
	_ =	sdelay $0x1  }
0xa7: {  	s23 =	simm.s32 $0x1B8B  }
0xa8: {  	_ =	swait.ge [sflag:s23], $0x1  }
0xa9: {  	[sflag:s23] =	ssyncset.done $0x0  }
0xaa: {  	s25 =	simm.s32 $0x1B8E;
	s24 =	sld [smem:$0x3FFE];
	[sflag:s23] =	ssyncadd.s32 $0xFFFFFFFF  }
0xab: {  	s26 =	simm.s32 $execute0_lowered;
	[smem:$0x3FD2] =	sst s25  }
0xac: {  	s7 =	sshll.u32 s26, $0x1;
	_ =	strace $0x80000049;
	[dreg:$0x1] =	wrdreg $0xFFFFFFFF  }
0xad: {  	s28 =	simm.s32 $_size_execute0_lowered;
	s5 =	sadd.s32 s5, s7;
	[dreg:$0x0] =	wrdreg $0x0  }
0xae: {  	s7 =	sshll.u32 s28, $0x1;
	[dreg:$0x2] =	wrdreg s5  }
0xaf: {  	[dreg:$0x3] =	wrdreg s7  }
0xb0: {  	[dreg:$0x4] =	wrdreg $0xC0  }
0xb1: {  	_ =	task [dreg:s9], $0x5FFFF  }
0xb2: {  	[dreg:$0x1] =	wrdreg $0xFFFFFFFF  }
0xb3: {  	[dreg:$0x0] =	wrdreg $0x60  }
0xb4: {  	[dreg:$0x2] =	wrdreg s16  }
0xb5: {  	[dreg:$0x3] =	wrdreg s24  }
0xb6: {  	[dreg:$0x4] =	wrdreg s15  }
0xb7: {  	[dreg:$0x5] =	wrdreg s17  }
0xb8: {  	[dreg:$0x6] =	wrdreg $0x9  }
0xb9: {  	_ =	task.clear_ibuf [dreg:s9], $0x7FFFF;
	_ =	strace $0x90000049  }
0xba: {  	s29 =	simm.s32 $0x9;
	_ =	strace $0x8000004B  }
0xbb: {  	_ =	swait.ge [sflag:s29], $0x1  }
0xbc: {  	[sflag:s29] =	ssyncadd.s32 $0xFFFFFFFF  }
0xbd: {  	_ =	strace $0x9000004B  }
0xbe: {  	_ =	sfence  }
0xbf: {  	s30 =	sld [smem:$0x0];
	_ =	sdelay $0x2  }
0xc0: {  	s31 =	sshll.u32 s1, $0xD;
	s1 =	sshrl.u32 s1, $0x2  }
0xc1: {  	s3 =	sand.u32 $0x4000, s31;
	s1 =	sadd.s32 s1, s30  }
0xc2: {  	s0 =	sor.u32 s3, s0;
	s1 =	sshll.u32 s1, $0x11  }
0xc3: {  	s0 =	sor.u32 s1, s0  }
0xc4: {  	s0 =	sadd.s32 $0x8F2B, s0  }
0xc5: {  	[sflag:s0] =	ssyncadd.remote.s32 $0x1  }
0xc6: {  	_ =	sfence.sel $0xFFFF  }
0xc7: {  	[dreg:$0x0] =	wrdreg $0xFFFFFFFF;
	(pc) =	sbr.abs _section_cstart, $3  }
0xc8: {  	[dreg:$0x1] =	wrdreg $0xFFFFFFFF  }
0xc9: {  	_ =	task.clear_ibuf [dreg:s9], $0x2FFFF;
	_ =	strace $0x9FFFFFFF  }
0xca: {  	(tm) =	ssettm $0x7FFFFFFF  }
0xcb: {  	_ =	shalt  }
tec
execute0_lowered:
.L_overlay_start_1:
0x0: {  	(tag) =	ssettag $0x1  }
0x1: {  	s6 =	rddreg [dreg:$0x0]  }
0x2: {  	s1 =	srdreg.scid;
	s4 =	rddreg [dreg:$0x1]  }
0x3: {  	s0 =	stileid.u32;
	s8 =	rddreg [dreg:$0x2]  }
0x4: {  	s9 =	rddreg [dreg:$0x3];
	s2 =	simm.s32 $0x0;
	s14 =	simm.s32 $0x400  }
0x5: {  	s16 =	simm.s32 $0x8000;
	s17 =	simm.s32 $0x0;
	s3 =	sand.u32 $0x1, s1  }
0x6: {  	s30 =	sshll.u32 s0, $0x1;
	s5 =	sshrl.u32 s0, $0x2;
	[smem:$0x7FF] =	sst s2  }
0x7: {  	s7 =	sor.u32 s3, s30;
	s11 =	sshll.u32 s5, $0xA;
	s12 =	ssub.s32 $0x2, s3  }
0x8: {  	s3 =	sadd.s32 $0xE00, s4;
	s5 =	sshll.u32 s5, $0x11;
	s1 =	sshll.u32 s7, $0x7  }
0x9: {  	s13 =	sshrl.u32 s12, $0x1;
	s15 =	sshll.u32 s7, $0xE;
	s31 =	sshll.u32 s7, $0xB  }
0xa: {  	s10 =	sand.u32 $0x380, s1;
	s1 =	rddreg [dreg:$0x4];
	_ =	strace $0x8000004A  }
0xb: {  	s12 =	ssub.s32 s12, s13;
	s7 =	sadd.s32 s8, s31;
	s8 =	sadd.s32 s9, s31  }
.Ltmp0:
0xc: {  	s13 =	simm.s32 $0x80;
	v0 =	vmov s15;
	s15 =	simm.s32 $0x4000;
	(pc) =	sbr.rel .LBB2_1-.Ltmp0, $4  }
0xd: {  	s11 =	sor.u32 s11, s10;
	s10 =	sor.u32 s5, s10;
	s9 =	smax.u32 s12, $0x1  }
0xe: {  	s12 =	simm.s32 $0xC080;
	s11 =	sshrl.u32 s11, $0x3;
	s10 =	sshrl.u32 s10, $0x3  }
0xf: {  	s11 =	sadd.s32 s11, s4;
	s6 =	sadd.s32 s6, s10;
	s10 =	simm.s32 $0xC000  }
0x10: {  	v1 =	vlaneseq.u32;
	s4 =	sadd.s32 $0x800E00, s11;
	s5 =	sadd.s32 $0x801000, s11;
	s11 =	simm.s32 $0x1  }
.LBB2_3:
0x11: {  	s21 =	simm.s32 $0x0;
	s20 =	simm.s32 $0x4000  }
.LBB2_7:
0x12: {  	s21 =	sadd.s32 @p0 $0x10, s21  }
0x13: {  	s19 =	smov.u32 @p0 s21  }
0x14: {  	v4 =	vsub.s32 v3, v0;
	v5 =	vor.u32 s19, v1;
	s19 =	sadd.s32 @p0 $0x10, s20  }
0x15: {  	v3 =	vand.u32 $0x7F, v3;
	vm0 =	vlt.s32 v5, v2;
	v2 =	vand.u32 $0xFFFFFF80, v4;
	s18 =	smov.u32 @p0 s19  }
0x16: {  	v63 =	vld [tilespmem:s18+$0x0];
	v2 =	vor.u32 v3, v2;
	_ =	sdelay $0x4  }
0x17: {  	[tilespmem:v2+s16+$0x0] =	vst.idx.msk vm0, v63  }
.LBB2_8:
0x18: {  	s17 =	sadd.s32 $0x1, s17  }
0x19: {  	p0 =	sne.s32 s17, s9  }
.Ltmp1:
0x1a: {  	_ = 	snop;
	(pc) =	sbr.rel @!p0 .LBB2_9-.Ltmp1, $4  }
0x1b: {  	[hbm4b:s8+s2] =	stream.linear.scatter [tilespmem:s16], [sflag:$0x1], $0x4000, $0x38;
	[tilespmem:$0xC100] =	vst v63  }
0x1c: {  	_ =	swait.ge [sflag:s11], $0x4000  }
0x1d: {  	[sflag:s11] =	ssyncset.done $0x0  }
0x1e: {  	[sflag:s11] =	ssyncadd.s32 $0xFFFFC000  }
.LBB2_1:
0x1f: {  	[tilespmem:s10], [sflag:$0x1] =	stream.linear.gather [hbm4b:s4+s2], $0x80, $0x38;
	[tilespmem:$0xC100] =	vst v63  }
0x20: {  	_ =	swait.ge [sflag:s11], $0x80  }
0x21: {  	[sflag:s11] =	ssyncset.done $0x0  }
0x22: {  	[sflag:s11] =	ssyncadd.s32 $0xFFFFFF80  }
0x23: {  	[tilespmem:s12], [sflag:$0x1] =	stream.linear.gather [hbm4b:s5+s2], $0x80, $0x38;
	[tilespmem:$0xC100] =	vst v63  }
0x24: {  	_ =	swait.ge [sflag:s11], $0x80  }
0x25: {  	[sflag:s11] =	ssyncset.done $0x0  }
0x26: {  	[sflag:s11] =	ssyncadd.s32 $0xFFFFFF80  }
0x27: {  	[tilespmem:s2], [sflag:$0x1] =	stream.strided.gather [hbm4b:s6+s13], $0x4000, s14, s13, $0x38;
	[tilespmem:$0xC100] =	vst v63  }
0x28: {  	_ =	swait.ge [sflag:s11], $0x4000  }
0x29: {  	[sflag:s11] =	ssyncset.done $0x0  }
0x2a: {  	[sflag:s11] =	ssyncadd.s32 $0xFFFFC000  }
0x2b: {  	v2 =	vld [tilespmem:$0xC080];
	_ =	sdelay $0x4  }
0x2c: {  	(v2sf) =	vpush v2, $0x0;
	_ =	sdelay $0xe  }
0x2d: {  	s18 =	spop (v2sf)  }
0x2e: {  	s18 =	sshrl.u32 s18, $0x3  }
0x2f: {  	s18 =	sand.u32 $0x1FFFFFF0, s18  }
0x30: {  	s18 =	sadd.s32 s3, s18  }
0x31: {  	[tilespmem:s15], [sflag:$0x1] =	stream.linear.gather [hbm4b:s18+s2], $0x4000, $0x38;
	[tilespmem:$0xC100] =	vst v63  }
0x32: {  	_ =	swait.ge [sflag:s11], $0x4000  }
0x33: {  	[sflag:s11] =	ssyncset.done $0x0  }
0x34: {  	[sflag:s11] =	ssyncadd.s32 $0xFFFFC000  }
0x35: {  	[tilespmem:s16], [sflag:$0x1] =	stream.linear.gather [hbm4b:s7+s2], $0x4000, $0x38;
	[tilespmem:$0xC100] =	vst v63  }
0x36: {  	_ =	swait.ge [sflag:s11], $0x4000  }
0x37: {  	[sflag:s11] =	ssyncset.done $0x0  }
0x38: {  	[sflag:s11] =	ssyncadd.s32 $0xFFFFC000  }
0x39: {  	v2 =	vld [tilespmem:$0xC000];
	_ =	sdelay $0x4  }
0x3a: {  	(v2sf) =	vpush v2, $0x0;
	_ =	sdelay $0xe  }
0x3b: {  	s30 =	spop (v2sf)  }
0x3c: {  	s18 =	sadd.s32 $0xF, s30  }
0x3d: {  	s19 =	sand.u32 $0xF, s18  }
0x3e: {  	s31 =	sshra.s32 s18, $0x1F;
	p1 =	slt.s32 s18, $0x1;
	p0 =	sne.s32 s19, $0x0  }
0x3f: {  	s19 =	sshrl.u32 s31, $0x1C;
	p0 =	por !p1, !p0  }
0x40: {  	s18 =	sadd.s32 s19, s18;
	s19 =	simm.s32 $0x1;
	p0 =	por !p0, !p0  }
0x41: {  	s18 =	sshra.s32 s18, $0x4;
	s19 =	simm.s32 @!p0 $0x0  }
0x42: {  	s20 =	ssub.s32 s18, s19  }
0x43: {  	p0 =	slt.s32 s20, $0x1  }
.Ltmp2:
0x44: {  	_ = 	snop;
	(pc) =	sbr.rel @p0 .LBB2_8-.Ltmp2, $1  }
0x45: {  	_ =	sdelay $0x3  }
0x46: {  	p1 =	sne.s32 s20, $0x1  }
.Ltmp3:
0x47: {  	_ = 	snop;
	(pc) =	sbr.rel @!p1 .LBB2_3-.Ltmp3, $3  }
0x48: {  	s19 =	simm.s32 $0x0  }
0x49: {  	v3 =	vld [tilespmem:s19+$0x0];
	_ =	sdelay $0x1  }
0x4a: {  	v2 =	vbroadcast v2, $0x0;
	s18 =	simm.s32 $0x4000;
	s20 =	sadd.s32 $0xFFFFFFFF, s20;
	p0 =	por $0x0, $0x0  }
0x4b: {  	_ =	sdelay $0x1  }
0x4c: {  	v5 =	vor.u32 s19, v1;
	v4 =	vsub.s32 v3, v0  }
0x4d: {  	vm0 =	vlt.s32 v5, v2;
	v3 =	vand.u32 $0x7F, v3;
	v4 =	vand.u32 $0xFFFFFF80, v4  }
0x4e: {  	v5 =	vld [tilespmem:s18+$0x0];
	v3 =	vor.u32 v3, v4;
	_ =	sdelay $0x2  }
0x4f: {  	p1 =	sne.s32 s20, $0x1  }
.Ltmp4:
0x50: {  	_ = 	snop;
	(pc) =	sbr.rel @!p1 .LBB2_5-.Ltmp4, $4  }
0x51: {  	s22 =	simm.s32 $0x10;
	[tilespmem:v3+s16+$0x0] =	vst.idx.msk vm0, v5  }
0x52: {  	v3 =	vld [tilespmem:s22+$0x0]  }
0x53: {  	s23 =	sadd.s32 $0xFFFFFFFF, s20  }
0x54: {  	p0 =	por $0x1, $0x1;
	s21 =	simm.s32 $0x0;
	s20 =	simm.s32 $0x4000  }
.LBB2_6:
0x55: {  	p1 =	sne.s32 s23, $0x1;
	_ =	sdelay $0x2  }
0x56: {  	s21 =	sadd.s32 $0x10, s21  }
0x57: {  	v4 =	vsub.s32 v3, v0;
	v5 =	vor.u32 s21, v1  }
0x58: {  	v3 =	vand.u32 $0x7F, v3;
	s20 =	sadd.s32 $0x10, s20;
	v4 =	vand.u32 $0xFFFFFF80, v4;
	vm0 =	vlt.s32 v5, v2  }
0x59: {  	v3 =	vor.u32 v3, v4;
	v5 =	vld [tilespmem:s20+$0x0];
	_ =	sdelay $0x1  }
.Ltmp5:
0x5a: {  	(pc) =	sbr.rel @p1 .LBB2_6-.Ltmp5, $3  }
0x5b: {  	_ =	sdelay $0x1  }
0x5c: {  	s22 =	sadd.s32 $0x10, s22;
	[tilespmem:v3+s16+$0x0] =	vst.idx.msk vm0, v5  }
0x5d: {  	s23 =	sadd.s32 $0xFFFFFFFF, s23;
	v3 =	vld [tilespmem:s22+$0x0]  }
.Ltmp6:
0x5e: {  	_ = 	snop;
	(pc) =	sbr.rel .LBB2_7-.Ltmp6, $1  }
0x5f: {  	_ =	sdelay $0x3  }
.LBB2_5:
.Ltmp7:
0x60: {  	(pc) =	sbr.rel .LBB2_7-.Ltmp7, $2  }
0x61: {  	_ =	sdelay $0x2  }
0x62: {  	s21 =	simm.s32 $0x0;
	s20 =	simm.s32 $0x4000  }
.LBB2_9:
0x63: {  	_ =	sfence.sel $0x180000  }
0x64: {  	[bflag:$0x0] =	sbarrier.arrive $0xFFFF  }
0x65: {  	p0 =	sne.s32 s0, $0x0;
	_ =	strace $0x9000004A  }
0x66: {  	s0 =	sadd.s32 @!p0 $0x100000, s1;
	[bflag:$0x2] =	sbarrier.arrive $0xFFFF  }
0x67: {  	[sflag:s0] =	ssyncadd.tile.s32 @!p0 $0x1;
	_ =	shalt  }
.Lfunc_end2:
_tile_overlayer_lowered:
.L_overlay_start_2:
0x68: {  	(tag) =	ssettag $0x2  }
0x69: {  	s0 =	rddreg [dreg:$0x0];
	s2 =	stileid.u32  }
0x6a: {  	s1 =	rddreg [dreg:$0x1];
	p0 =	sne.s32 s2, $0x0  }
0x6b: {  	s3 =	rddreg [dreg:$0x2];
	[bflag:$0x3] =	sbarrier.arrive $0xFFFF;
	s2 =	simm.s32 @!p0 $0x1C01  }
0x6c: {  	[timem:s3], [sflag:s2] =	dma.local @!p0 [hbm:s0], s1  }
0x6d: {  	s0 =	simm.s32 @!p0 $0x1  }
0x6e: {  	_ =	swait.ge @!p0 [sflag:s0], s1  }
0x6f: {  	s1 =	ssub.s32 @!p0 $0x0, s1;
	[sflag:s0] =	ssyncset.done @!p0 $0x0  }
0x70: {  	[sflag:s0] =	ssyncadd.s32 @!p0 s1  }
0x71: {  	[bflag:$0x3] =	sbarrier.arrive $0xFFFF  }
0x72: {  	_ =	shalt  }

</sc_bundles>
